<compile_context>
chip_gen: v7x
topology: tpu7x:2x2x1
jax: 0.10.2.dev20260603
libtpu: 0.0.44.dev20260713+nightly
codegen_flags: <defaults>
</compile_context>

<pallas_src>
import functools

import jax
import jax.numpy as jnp
from jax import lax
from jax.experimental import pallas as pl
from jax.experimental.pallas import tpu as pltpu
from jax.experimental.pallas import tpu_sc as plsc

NC = 2
NS = 16
NW = NC * NS
L = 16


def _sc_gather(src_feat, tgt_feat, src_idx, dst_idx):
    N, D = src_feat.shape
    E = src_idx.shape[0]
    per_w = E // NW
    C = 80
    n_chunks = per_w // C
    NWB = 10
    WBR = N // NWB
    ZR = 200
    assert per_w * NW == E and n_chunks * C == per_w

    mesh = plsc.VectorSubcoreMesh(core_axis_name="c", subcore_axis_name="s",
                                  num_cores=NC, num_subcores=NS)

    @functools.partial(
        pl.kernel,
        out_type=(jax.ShapeDtypeStruct((E, D), jnp.float32),
                  jax.ShapeDtypeStruct((NC * N, D), jnp.float32)),
        mesh=mesh,
        scratch_types=[
            pltpu.VMEM((C,), jnp.int32),
            pltpu.VMEM((C,), jnp.int32),
            pltpu.VMEM((C, D), jnp.float32),
            pltpu.VMEM((C, D), jnp.float32),
            pltpu.VMEM((ZR, D), jnp.float32),
            pltpu.VMEM_SHARED((N, D), jnp.float32),
            pltpu.SemaphoreType.DMA,
            pltpu.SemaphoreType.DMA,
        ],
    )
    def k(src_hbm, tgt_hbm, si_hbm, di_hbm, out_hbm, cnts_hbm,
          si_v, di_v, s_rows, t_rows, ones_v, cnt_sh, sem1, sem2):
        c = lax.axis_index("c")
        s = lax.axis_index("s")
        wid = s * NC + c
        base_w = wid * per_w

        def zrow(i, carry):
            for jj in range(D // L):
                ones_v[i, pl.ds(jj * L, L)] = jnp.zeros((L,), jnp.float32)
            return carry
        lax.fori_loop(0, ZR, zrow, 0)

        @pl.when(s < NWB)
        def _zero():
            r0 = s * WBR
            for r in range(WBR // ZR):
                pltpu.sync_copy(ones_v.at[pl.ds(0, ZR)],
                                cnt_sh.at[pl.ds(r0 + r * ZR, ZR)])

        def orow(i, carry):
            for jj in range(D // L):
                ones_v[i, pl.ds(jj * L, L)] = jnp.ones((L,), jnp.float32)
            return carry
        lax.fori_loop(0, C, orow, 0)
        plsc.subcore_barrier()

        def chunk(j, carry):
            base = base_w + j * C
            pltpu.sync_copy(si_hbm.at[pl.ds(base, C)], si_v)
            pltpu.sync_copy(di_hbm.at[pl.ds(base, C)], di_v)
            cp1 = pltpu.async_copy(src_hbm.at[si_v], s_rows, sem1)
            cp2 = pltpu.async_copy(tgt_hbm.at[di_v], t_rows, sem2)
            cp1.wait()
            cp2.wait()

            def row(i, carry2):
                for jj in range(D // L):
                    sl = pl.ds(jj * L, L)
                    s_rows[i, sl] = s_rows[i, sl] + t_rows[i, sl]
                return carry2

            lax.fori_loop(0, C, row, 0)
            pltpu.sync_copy(s_rows, out_hbm.at[pl.ds(base, C)])
            pltpu.sync_copy(ones_v.at[pl.ds(0, C)], cnt_sh.at[di_v], add=True)
            return carry

        lax.fori_loop(0, n_chunks, chunk, 0)
        plsc.subcore_barrier()

        @pl.when(s < NWB)
        def _writeback():
            r0 = s * WBR
            pltpu.sync_copy(cnt_sh.at[pl.ds(r0, WBR)],
                            cnts_hbm.at[pl.ds(c * N + r0, WBR)])

    return k(src_feat, tgt_feat, src_idx, dst_idx)


def _sc_scatter(add_feat, dst_idx, num_nodes):
    E, D = add_feat.shape
    N = num_nodes
    per_core = E // NC
    per_w = per_core // NS
    C = 80
    n_chunks = per_w // C
    NWB = 10
    WBR = N // NWB
    ZR = 200
    assert n_chunks * C == per_w and WBR * NWB == N and WBR % ZR == 0

    mesh = plsc.VectorSubcoreMesh(core_axis_name="c", subcore_axis_name="s",
                                  num_cores=NC, num_subcores=NS)

    @functools.partial(
        pl.kernel,
        out_type=jax.ShapeDtypeStruct((NC * N, D), jnp.float32),
        mesh=mesh,
        scratch_types=[
            pltpu.VMEM((C, D), jnp.float32),
            pltpu.VMEM((C,), jnp.int32),
            pltpu.VMEM((ZR, D), jnp.float32),
            pltpu.VMEM_SHARED((N, D), jnp.float32),
            pltpu.SemaphoreType.DMA,
        ],
    )
    def k(add_hbm, di_hbm, sums_hbm, rows, di_v, zacc, acc, sem):
        c = lax.axis_index("c")
        s = lax.axis_index("s")

        def zrow(i, carry):
            for jj in range(D // L):
                zacc[i, pl.ds(jj * L, L)] = jnp.zeros((L,), jnp.float32)
            return carry
        lax.fori_loop(0, ZR, zrow, 0)

        @pl.when(s < NWB)
        def _zero():
            r0 = s * WBR
            for r in range(WBR // ZR):
                pltpu.sync_copy(zacc, acc.at[pl.ds(r0 + r * ZR, ZR)])
        plsc.subcore_barrier()

        base_s = c * per_core + s * per_w

        def chunk(j, carry):
            base = base_s + j * C
            pltpu.sync_copy(di_hbm.at[pl.ds(base, C)], di_v)
            pltpu.async_copy(add_hbm.at[pl.ds(base, C)], rows, sem).wait()
            pltpu.sync_copy(rows, acc.at[di_v], add=True)
            return carry

        lax.fori_loop(0, n_chunks, chunk, 0)
        plsc.subcore_barrier()

        @pl.when(s < NWB)
        def _writeback():
            r0 = s * WBR
            pltpu.sync_copy(acc.at[pl.ds(r0, WBR)],
                            sums_hbm.at[pl.ds(c * N + r0, WBR)])

    return k(add_feat, dst_idx)


def _tc_edge(g, edge_feat, WsT, WeT, g1, b1):
    E, D = edge_feat.shape
    BE = 2000
    grid = E // BE
    assert grid * BE == E

    def body(g_ref, ef_ref, ws_ref, we_ref, g1_ref, b1_ref, add_ref, ne_ref):
        h = (jnp.dot(g_ref[...], ws_ref[...], preferred_element_type=jnp.float32)
             + jnp.dot(ef_ref[...], we_ref[...], preferred_element_type=jnp.float32))
        h = h * jax.nn.sigmoid(h)
        m = jnp.mean(h, axis=-1, keepdims=True)
        v = jnp.mean((h - m) * (h - m), axis=-1, keepdims=True)
        a = (h - m) / jnp.sqrt(v + 1e-5) * g1_ref[...] + b1_ref[...]
        add_ref[...] = a
        ne_ref[...] = ef_ref[...] + a

    return pl.pallas_call(
        body,
        grid=(grid,),
        in_specs=[
            pl.BlockSpec((BE, D), lambda i: (i, 0)),
            pl.BlockSpec((BE, D), lambda i: (i, 0)),
            pl.BlockSpec((D, D), lambda i: (0, 0)),
            pl.BlockSpec((D, D), lambda i: (0, 0)),
            pl.BlockSpec((1, D), lambda i: (0, 0)),
            pl.BlockSpec((1, D), lambda i: (0, 0)),
        ],
        out_specs=[
            pl.BlockSpec((BE, D), lambda i: (i, 0)),
            pl.BlockSpec((BE, D), lambda i: (i, 0)),
        ],
        out_shape=[
            jax.ShapeDtypeStruct((E, D), jnp.float32),
            jax.ShapeDtypeStruct((E, D), jnp.float32),
        ],
    )(g, edge_feat, WsT, WeT, g1, b1)


def _tc_node(sums, cnts, tgt_feat, WeT, WtT, g2, b2):
    N, D = tgt_feat.shape
    BN = 2000
    grid = N // BN
    nb = N // BN

    def body(s0_ref, s1_ref, c0_ref, c1_ref, t_ref, we_ref, wt_ref,
             g2_ref, b2_ref, out_ref):
        agg = s0_ref[...] + s1_ref[...]
        cnt = c0_ref[...][:, 0:1] + c1_ref[...][:, 0:1]
        mean = agg / jnp.maximum(cnt, 1.0)
        h = (jnp.dot(mean, we_ref[...], preferred_element_type=jnp.float32)
             + jnp.dot(t_ref[...], wt_ref[...], preferred_element_type=jnp.float32))
        h = h * jax.nn.sigmoid(h)
        m = jnp.mean(h, axis=-1, keepdims=True)
        v = jnp.mean((h - m) * (h - m), axis=-1, keepdims=True)
        a = (h - m) / jnp.sqrt(v + 1e-5) * g2_ref[...] + b2_ref[...]
        out_ref[...] = t_ref[...] + a

    return pl.pallas_call(
        body,
        grid=(grid,),
        in_specs=[
            pl.BlockSpec((BN, D), lambda i: (i, 0)),
            pl.BlockSpec((BN, D), lambda i: (i + nb, 0)),
            pl.BlockSpec((BN, D), lambda i: (i, 0)),
            pl.BlockSpec((BN, D), lambda i: (i + nb, 0)),
            pl.BlockSpec((BN, D), lambda i: (i, 0)),
            pl.BlockSpec((D, D), lambda i: (0, 0)),
            pl.BlockSpec((D, D), lambda i: (0, 0)),
            pl.BlockSpec((1, D), lambda i: (0, 0)),
            pl.BlockSpec((1, D), lambda i: (0, 0)),
        ],
        out_specs=pl.BlockSpec((BN, D), lambda i: (i, 0)),
        out_shape=jax.ShapeDtypeStruct((N, D), jnp.float32),
    )(sums, sums, cnts, cnts, tgt_feat, WeT, WtT, g2, b2)


def kernel(src_feat, tgt_feat, edge_feat, edge_index,
           W_s2e, W_e2e, W_e2t, W_t2t, ln1_g, ln1_b, ln2_g, ln2_b):
    N, D = src_feat.shape
    src_idx = edge_index[0]
    dst_idx = edge_index[1]

    g, cnts = _sc_gather(src_feat, tgt_feat, src_idx, dst_idx)
    add_feat, new_edge_feat = _tc_edge(
        g, edge_feat, W_s2e.T, W_e2e.T,
        ln1_g.reshape(1, D), ln1_b.reshape(1, D))
    sums = _sc_scatter(add_feat, dst_idx, N)
    new_tgt_feat = _tc_node(
        sums, cnts, tgt_feat, W_e2t.T, W_t2t.T,
        ln2_g.reshape(1, D), ln2_b.reshape(1, D))
    return (new_tgt_feat, new_edge_feat)

# --- scband reference (transcript-rebuilt; emitter-appended) ---
"""Pipeline reference for scband-lo-ranode2-edge2-node-block-dglsymmetry-83734682402872 (READ-ONLY COPY).

The authoritative reference and input builder live on the scoring server;
editing this copy changes nothing except your own understanding.
"""

import jax, jax.numpy as jnp
import numpy as np

N = 10000
E = 320000
D = 128

def _silu(x):
    return x * jax.nn.sigmoid(x)

def _layernorm(x, g, b, eps=1e-5):
    m = jnp.mean(x, axis=-1, keepdims=True)
    v = jnp.var(x, axis=-1, keepdims=True)
    return (x - m) / jnp.sqrt(v + eps) * g + b

def setup_inputs(seed: int = 0):
    key = jax.random.key(seed)
    ks = jax.random.split(key, 10)
    src_feat = jax.random.normal(ks[0], (N, D), dtype=jnp.float32)
    tgt_feat = jax.random.normal(ks[1], (N, D), dtype=jnp.float32)
    edge_feat = jax.random.normal(ks[2], (E, D), dtype=jnp.float32)
    edge_index = jax.random.randint(ks[3], (2, E), 0, N, dtype=jnp.int32)
    scale = 0.02
    W_s2e = jax.random.normal(ks[4], (D, D), dtype=jnp.float32) * scale
    W_e2e = jax.random.normal(ks[5], (D, D), dtype=jnp.float32) * scale
    W_e2t = jax.random.normal(ks[6], (D, D), dtype=jnp.float32) * scale
    W_t2t = jax.random.normal(ks[7], (D, D), dtype=jnp.float32) * scale
    ln1_g = jnp.ones((D,), dtype=jnp.float32)
    ln1_b = jnp.zeros((D,), dtype=jnp.float32)
    ln2_g = jnp.ones((D,), dtype=jnp.float32)
    ln2_b = jnp.zeros((D,), dtype=jnp.float32)
    return {"src_feat": src_feat, "tgt_feat": tgt_feat, "edge_feat": edge_feat,
            "edge_index": edge_index, "W_s2e": W_s2e, "W_e2e": W_e2e,
            "W_e2t": W_e2t, "W_t2t": W_t2t, "ln1_g": ln1_g, "ln1_b": ln1_b,
            "ln2_g": ln2_g, "ln2_b": ln2_b}

def reference(src_feat, tgt_feat, edge_feat, edge_index, W_s2e, W_e2e, W_e2t, W_t2t, ln1_g, ln1_b, ln2_g, ln2_b):
    src_idx = edge_index[0]
    dst_idx = edge_index[1]
    # apply_edges(fn.u_add_v('feat','feat','node_to_edge'))
    node_to_edge = jnp.take(src_feat, src_idx, axis=0) + jnp.take(tgt_feat, dst_idx, axis=0)
    # add_feat = activator1(STE2E_S2E(node_to_edge) + STE2E_E2E(edge_feat))
    add_feat = _layernorm(_silu(node_to_edge @ W_s2e.T + edge_feat @ W_e2e.T), ln1_g, ln1_b)
    new_edge_feat = edge_feat + add_feat
    # no 'coef' present -> mean reduce over incoming edges per dst node
    agg = jax.ops.segment_sum(add_feat, dst_idx, num_segments=N)
    cnt = jax.ops.segment_sum(jnp.ones((E,), dtype=jnp.float32), dst_idx, num_segments=N)
    mean_agg = agg / jnp.maximum(cnt, 1.0)[:, None]
    # node update: activator2(ET2T_E2T(add_feat_agg) + ET2T_T2T(tgt_feat))
    node_add = _layernorm(_silu(mean_agg @ W_e2t.T + tgt_feat @ W_t2t.T), ln2_g, ln2_b)
    new_tgt_feat = tgt_feat + node_add
    # do_source_update=False -> src features unchanged
    return (new_tgt_feat, new_edge_feat)

if __name__ == "__main__":
    import jax
    _d = setup_inputs()
    print(jax.jit(kernel)(*tuple(_d.values())))

</pallas_src>

<mosaic_0001>
#map = affine_map<(d0, d1) -> (0, 0)>
#map1 = affine_map<(d0, d1) -> (0)>
module attributes {stable_mosaic.version = 14 : i64} {
  func.func @k(%arg0: i32, %arg1: i32, %arg2: memref<10000x128xf32, #tpu.memory_space<hbm>>, %arg3: memref<10000x128xf32, #tpu.memory_space<hbm>>, %arg4: memref<320000xi32, #tpu.memory_space<hbm>>, %arg5: memref<320000xi32, #tpu.memory_space<hbm>>, %arg6: memref<320000x128xf32, #tpu.memory_space<hbm>>, %arg7: memref<20000x128xf32, #tpu.memory_space<hbm>>, %arg8: memref<80xi32, #tpu.memory_space<vmem>>, %arg9: memref<80xi32, #tpu.memory_space<vmem>>, %arg10: memref<80x128xf32, #tpu.memory_space<vmem>>, %arg11: memref<80x128xf32, #tpu.memory_space<vmem>>, %arg12: memref<200x128xf32, #tpu.memory_space<vmem>>, %arg13: memref<10000x128xf32, #tpu.memory_space<vmem_shared>>, %arg14: memref<!tpu.dma_semaphore, #tpu.memory_space<semaphore_mem>>, %arg15: memref<!tpu.dma_semaphore, #tpu.memory_space<semaphore_mem>>) attributes {dimension_semantics = [#tpu.dimension_semantics<core_parallel>, #tpu.dimension_semantics<subcore_parallel>], iteration_bounds = array<i64: 2, 16>, scalar_prefetch = 0 : i64, scratch_operands = 8 : i64, tpu.core_type = #tpu.core_type<sc_vector_subcore>, window_params = [{transform_indices = #map}, {transform_indices = #map}, {transform_indices = #map1}, {transform_indices = #map1}, {transform_indices = #map}, {transform_indices = #map}]} {
    %mul3A = arith.constant 2 : i32
    %mul3A_0 = arith.muli %arg1, %mul3A : i32
    %add3A = arith.addi %mul3A_0, %arg0 : i32
    %mul3A_1 = arith.constant 10000 : i32
    %mul3A_2 = arith.muli %add3A, %mul3A_1 : i32
    %scan3A = arith.constant 0 : i32
    %scan3A_3 = arith.constant 0 : i32
    %scan3A_4 = arith.constant 200 : i32
    %scan3A_5 = arith.addi %scan3A_3, %scan3A_4 : i32
    %scan3A_6 = arith.constant 1 : i32
    scf.for %scan3A_28 = %scan3A_3 to %scan3A_5 step %scan3A_6  : i32 {
      %broadcast_in_dim3A = arith.constant 0.000000e+00 : f32
      %broadcast_in_dim3A_29 = vector.broadcast %broadcast_in_dim3A : f32 to vector<16xf32>
      %swap3A = arith.index_cast %scan3A_28 : i32 to index
      %swap3A_30 = arith.constant 0 : index
      %swap3A_31 = tpu.vector_load %arg12[%swap3A, %swap3A_30] {strides = array<i32>} : memref<200x128xf32, #tpu.memory_space<vmem>>, vector<1x16xf32>,
      %swap3A_32 = vector.shape_cast %swap3A_31 : vector<1x16xf32> to vector<16xf32>
      %swap3A_33 = vector.shape_cast %broadcast_in_dim3A_29 : vector<16xf32> to vector<1x16xf32>
      tpu.vector_store %arg12[%swap3A, %swap3A_30], %swap3A_33 {strides = array<i32>} : memref<200x128xf32, #tpu.memory_space<vmem>>, vector<1x16xf32>,
      %broadcast_in_dim3A_34 = arith.constant 0.000000e+00 : f32
      %broadcast_in_dim3A_35 = vector.broadcast %broadcast_in_dim3A_34 : f32 to vector<16xf32>
      %swap3A_36 = arith.index_cast %scan3A_28 : i32 to index
      %swap3A_37 = arith.constant 16 : index
      %swap3A_38 = tpu.vector_load %arg12[%swap3A_36, %swap3A_37] {strides = array<i32>} : memref<200x128xf32, #tpu.memory_space<vmem>>, vector<1x16xf32>,
      %swap3A_39 = vector.shape_cast %swap3A_38 : vector<1x16xf32> to vector<16xf32>
      %swap3A_40 = vector.shape_cast %broadcast_in_dim3A_35 : vector<16xf32> to vector<1x16xf32>
      tpu.vector_store %arg12[%swap3A_36, %swap3A_37], %swap3A_40 {strides = array<i32>} : memref<200x128xf32, #tpu.memory_space<vmem>>, vector<1x16xf32>,
      %broadcast_in_dim3A_41 = arith.constant 0.000000e+00 : f32
      %broadcast_in_dim3A_42 = vector.broadcast %broadcast_in_dim3A_41 : f32 to vector<16xf32>
      %swap3A_43 = arith.index_cast %scan3A_28 : i32 to index
      %swap3A_44 = arith.constant 32 : index
      %swap3A_45 = tpu.vector_load %arg12[%swap3A_43, %swap3A_44] {strides = array<i32>} : memref<200x128xf32, #tpu.memory_space<vmem>>, vector<1x16xf32>,
      %swap3A_46 = vector.shape_cast %swap3A_45 : vector<1x16xf32> to vector<16xf32>
      %swap3A_47 = vector.shape_cast %broadcast_in_dim3A_42 : vector<16xf32> to vector<1x16xf32>
      tpu.vector_store %arg12[%swap3A_43, %swap3A_44], %swap3A_47 {strides = array<i32>} : memref<200x128xf32, #tpu.memory_space<vmem>>, vector<1x16xf32>,
      %broadcast_in_dim3A_48 = arith.constant 0.000000e+00 : f32
      %broadcast_in_dim3A_49 = vector.broadcast %broadcast_in_dim3A_48 : f32 to vector<16xf32>
      %swap3A_50 = arith.index_cast %scan3A_28 : i32 to index
      %swap3A_51 = arith.constant 48 : index
      %swap3A_52 = tpu.vector_load %arg12[%swap3A_50, %swap3A_51] {strides = array<i32>} : memref<200x128xf32, #tpu.memory_space<vmem>>, vector<1x16xf32>,
      %swap3A_53 = vector.shape_cast %swap3A_52 : vector<1x16xf32> to vector<16xf32>
      %swap3A_54 = vector.shape_cast %broadcast_in_dim3A_49 : vector<16xf32> to vector<1x16xf32>
      tpu.vector_store %arg12[%swap3A_50, %swap3A_51], %swap3A_54 {strides = array<i32>} : memref<200x128xf32, #tpu.memory_space<vmem>>, vector<1x16xf32>,
      %broadcast_in_dim3A_55 = arith.constant 0.000000e+00 : f32
      %broadcast_in_dim3A_56 = vector.broadcast %broadcast_in_dim3A_55 : f32 to vector<16xf32>
      %swap3A_57 = arith.index_cast %scan3A_28 : i32 to index
      %swap3A_58 = arith.constant 64 : index
      %swap3A_59 = tpu.vector_load %arg12[%swap3A_57, %swap3A_58] {strides = array<i32>} : memref<200x128xf32, #tpu.memory_space<vmem>>, vector<1x16xf32>,
      %swap3A_60 = vector.shape_cast %swap3A_59 : vector<1x16xf32> to vector<16xf32>
      %swap3A_61 = vector.shape_cast %broadcast_in_dim3A_56 : vector<16xf32> to vector<1x16xf32>
      tpu.vector_store %arg12[%swap3A_57, %swap3A_58], %swap3A_61 {strides = array<i32>} : memref<200x128xf32, #tpu.memory_space<vmem>>, vector<1x16xf32>,
      %broadcast_in_dim3A_62 = arith.constant 0.000000e+00 : f32
      %broadcast_in_dim3A_63 = vector.broadcast %broadcast_in_dim3A_62 : f32 to vector<16xf32>
      %swap3A_64 = arith.index_cast %scan3A_28 : i32 to index
      %swap3A_65 = arith.constant 80 : index
      %swap3A_66 = tpu.vector_load %arg12[%swap3A_64, %swap3A_65] {strides = array<i32>} : memref<200x128xf32, #tpu.memory_space<vmem>>, vector<1x16xf32>,
      %swap3A_67 = vector.shape_cast %swap3A_66 : vector<1x16xf32> to vector<16xf32>
      %swap3A_68 = vector.shape_cast %broadcast_in_dim3A_63 : vector<16xf32> to vector<1x16xf32>
      tpu.vector_store %arg12[%swap3A_64, %swap3A_65], %swap3A_68 {strides = array<i32>} : memref<200x128xf32, #tpu.memory_space<vmem>>, vector<1x16xf32>,
      %broadcast_in_dim3A_69 = arith.constant 0.000000e+00 : f32
      %broadcast_in_dim3A_70 = vector.broadcast %broadcast_in_dim3A_69 : f32 to vector<16xf32>
      %swap3A_71 = arith.index_cast %scan3A_28 : i32 to index
      %swap3A_72 = arith.constant 96 : index
      %swap3A_73 = tpu.vector_load %arg12[%swap3A_71, %swap3A_72] {strides = array<i32>} : memref<200x128xf32, #tpu.memory_space<vmem>>, vector<1x16xf32>,
      %swap3A_74 = vector.shape_cast %swap3A_73 : vector<1x16xf32> to vector<16xf32>
      %swap3A_75 = vector.shape_cast %broadcast_in_dim3A_70 : vector<16xf32> to vector<1x16xf32>
      tpu.vector_store %arg12[%swap3A_71, %swap3A_72], %swap3A_75 {strides = array<i32>} : memref<200x128xf32, #tpu.memory_space<vmem>>, vector<1x16xf32>,
      %broadcast_in_dim3A_76 = arith.constant 0.000000e+00 : f32
      %broadcast_in_dim3A_77 = vector.broadcast %broadcast_in_dim3A_76 : f32 to vector<16xf32>
      %swap3A_78 = arith.index_cast %scan3A_28 : i32 to index
      %swap3A_79 = arith.constant 112 : index
      %swap3A_80 = tpu.vector_load %arg12[%swap3A_78, %swap3A_79] {strides = array<i32>} : memref<200x128xf32, #tpu.memory_space<vmem>>, vector<1x16xf32>,
      %swap3A_81 = vector.shape_cast %swap3A_80 : vector<1x16xf32> to vector<16xf32>
      %swap3A_82 = vector.shape_cast %broadcast_in_dim3A_77 : vector<16xf32> to vector<1x16xf32>
      tpu.vector_store %arg12[%swap3A_78, %swap3A_79], %swap3A_82 {strides = array<i32>} : memref<200x128xf32, #tpu.memory_space<vmem>>, vector<1x16xf32>,
    }
    %scan3A_7 = arith.constant 200 : i32
    %lt3A = arith.constant 10 : i32
    %lt3A_8 = arith.cmpi slt, %arg1, %lt3A : i32
    %convert_element_type3A = arith.extui %lt3A_8 : i1 to i32
    %cond3A = arith.constant 0 : i32
    %cond3A_9 = arith.cmpi ne, %convert_element_type3A, %cond3A : i32
    scf.if %cond3A_9 {
      %mul3A_28 = arith.constant 1000 : i32
      %mul3A_29 = arith.muli %arg1, %mul3A_28 : i32
      %add3A_30 = arith.constant 0 : i32
      %add3A_31 = arith.addi %mul3A_29, %add3A_30 : i32
      "tpu.region"() ({
        %run_scoped3A = tpu.sem_alloc : memref<!tpu.dma_semaphore, #tpu.memory_space<semaphore_mem>>
        %dma_start3A = arith.constant 0 : i32
        %dma_start3A_40 = arith.constant 0 : i32
        %dma_start3A_41 = tpu.memref_slice %arg12[%dma_start3A, %dma_start3A_40] : memref<200x128xf32, #tpu.memory_space<vmem>> -> memref<200x128xf32, #tpu.memory_space<vmem>>
        %dma_start3A_42 = arith.constant 0 : i32
        %dma_start3A_43 = tpu.memref_slice %arg13[%add3A_31, %dma_start3A_42] : memref<10000x128xf32, #tpu.memory_space<vmem_shared>> -> memref<200x128xf32, #tpu.memory_space<vmem_shared>>
        %dma_start3A_44 = arith.constant 0 : i32
        %dma_start3A_45 = tpu.memref_slice %arg13[%add3A_31, %dma_start3A_44] : memref<10000x128xf32, #tpu.memory_space<vmem_shared>> -> memref<200x128xf32, #tpu.memory_space<vmem_shared>>
        %dma_start3A_46 = arith.constant 0 : i32
        %dma_start3A_47 = arith.constant 0 : i32
        %dma_start3A_48 = tpu.memref_slice %arg12[%dma_start3A_46, %dma_start3A_47] : memref<200x128xf32, #tpu.memory_space<vmem>> -> memref<200x128xf32, #tpu.memory_space<vmem>>
        tpu.enqueue_dma source(%dma_start3A_48 : memref<200x128xf32, #tpu.memory_space<vmem>>) target(%dma_start3A_45 : memref<200x128xf32, #tpu.memory_space<vmem_shared>>) target_semaphore(%run_scoped3A : memref<!tpu.dma_semaphore, #tpu.memory_space<semaphore_mem>>)
        %dma_wait3A = arith.constant 0 : i32
        %dma_wait3A_49 = arith.constant 0 : i32
        %dma_wait3A_50 = tpu.memref_slice %arg12[%dma_wait3A, %dma_wait3A_49] : memref<200x128xf32, #tpu.memory_space<vmem>> -> memref<200x128xf32, #tpu.memory_space<vmem>>
        %dma_wait3A_51 = arith.constant 0 : i32
        %dma_wait3A_52 = tpu.memref_slice %arg13[%add3A_31, %dma_wait3A_51] : memref<10000x128xf32, #tpu.memory_space<vmem_shared>> -> memref<200x128xf32, #tpu.memory_space<vmem_shared>>
        %dma_wait3A_53 = arith.constant 0 : i32
        %dma_wait3A_54 = tpu.memref_slice %arg13[%add3A_31, %dma_wait3A_53] : memref<10000x128xf32, #tpu.memory_space<vmem_shared>> -> memref<200x128xf32, #tpu.memory_space<vmem_shared>>
        %dma_wait3A_55 = arith.constant 0 : i32
        %dma_wait3A_56 = arith.constant 0 : i32
        %dma_wait3A_57 = tpu.memref_slice %arg12[%dma_wait3A_55, %dma_wait3A_56] : memref<200x128xf32, #tpu.memory_space<vmem>> -> memref<200x128xf32, #tpu.memory_space<vmem>>
        tpu.wait_dma2 semaphore(%run_scoped3A : memref<!tpu.dma_semaphore, #tpu.memory_space<semaphore_mem>>) src(%dma_wait3A_57 : memref<200x128xf32, #tpu.memory_space<vmem>>) dst(%dma_wait3A_54 : memref<200x128xf32, #tpu.memory_space<vmem_shared>>)
        tpu.yield
      }) : () -> ()
      %add3A_32 = arith.constant 200 : i32
      %add3A_33 = arith.addi %mul3A_29, %add3A_32 : i32
      "tpu.region"() ({
        %run_scoped3A = tpu.sem_alloc : memref<!tpu.dma_semaphore, #tpu.memory_space<semaphore_mem>>
        %dma_start3A = arith.constant 0 : i32
        %dma_start3A_40 = arith.constant 0 : i32
        %dma_start3A_41 = tpu.memref_slice %arg12[%dma_start3A, %dma_start3A_40] : memref<200x128xf32, #tpu.memory_space<vmem>> -> memref<200x128xf32, #tpu.memory_space<vmem>>
        %dma_start3A_42 = arith.constant 0 : i32
        %dma_start3A_43 = tpu.memref_slice %arg13[%add3A_33, %dma_start3A_42] : memref<10000x128xf32, #tpu.memory_space<vmem_shared>> -> memref<200x128xf32, #tpu.memory_space<vmem_shared>>
        %dma_start3A_44 = arith.constant 0 : i32
        %dma_start3A_45 = tpu.memref_slice %arg13[%add3A_33, %dma_start3A_44] : memref<10000x128xf32, #tpu.memory_space<vmem_shared>> -> memref<200x128xf32, #tpu.memory_space<vmem_shared>>
        %dma_start3A_46 = arith.constant 0 : i32
        %dma_start3A_47 = arith.constant 0 : i32
        %dma_start3A_48 = tpu.memref_slice %arg12[%dma_start3A_46, %dma_start3A_47] : memref<200x128xf32, #tpu.memory_space<vmem>> -> memref<200x128xf32, #tpu.memory_space<vmem>>
        tpu.enqueue_dma source(%dma_start3A_48 : memref<200x128xf32, #tpu.memory_space<vmem>>) target(%dma_start3A_45 : memref<200x128xf32, #tpu.memory_space<vmem_shared>>) target_semaphore(%run_scoped3A : memref<!tpu.dma_semaphore, #tpu.memory_space<semaphore_mem>>)
        %dma_wait3A = arith.constant 0 : i32
        %dma_wait3A_49 = arith.constant 0 : i32
        %dma_wait3A_50 = tpu.memref_slice %arg12[%dma_wait3A, %dma_wait3A_49] : memref<200x128xf32, #tpu.memory_space<vmem>> -> memref<200x128xf32, #tpu.memory_space<vmem>>
        %dma_wait3A_51 = arith.constant 0 : i32
        %dma_wait3A_52 = tpu.memref_slice %arg13[%add3A_33, %dma_wait3A_51] : memref<10000x128xf32, #tpu.memory_space<vmem_shared>> -> memref<200x128xf32, #tpu.memory_space<vmem_shared>>
        %dma_wait3A_53 = arith.constant 0 : i32
        %dma_wait3A_54 = tpu.memref_slice %arg13[%add3A_33, %dma_wait3A_53] : memref<10000x128xf32, #tpu.memory_space<vmem_shared>> -> memref<200x128xf32, #tpu.memory_space<vmem_shared>>
        %dma_wait3A_55 = arith.constant 0 : i32
        %dma_wait3A_56 = arith.constant 0 : i32
        %dma_wait3A_57 = tpu.memref_slice %arg12[%dma_wait3A_55, %dma_wait3A_56] : memref<200x128xf32, #tpu.memory_space<vmem>> -> memref<200x128xf32, #tpu.memory_space<vmem>>
        tpu.wait_dma2 semaphore(%run_scoped3A : memref<!tpu.dma_semaphore, #tpu.memory_space<semaphore_mem>>) src(%dma_wait3A_57 : memref<200x128xf32, #tpu.memory_space<vmem>>) dst(%dma_wait3A_54 : memref<200x128xf32, #tpu.memory_space<vmem_shared>>)
        tpu.yield
      }) : () -> ()
      %add3A_34 = arith.constant 400 : i32
      %add3A_35 = arith.addi %mul3A_29, %add3A_34 : i32
      "tpu.region"() ({
        %run_scoped3A = tpu.sem_alloc : memref<!tpu.dma_semaphore, #tpu.memory_space<semaphore_mem>>
        %dma_start3A = arith.constant 0 : i32
        %dma_start3A_40 = arith.constant 0 : i32
        %dma_start3A_41 = tpu.memref_slice %arg12[%dma_start3A, %dma_start3A_40] : memref<200x128xf32, #tpu.memory_space<vmem>> -> memref<200x128xf32, #tpu.memory_space<vmem>>
        %dma_start3A_42 = arith.constant 0 : i32
        %dma_start3A_43 = tpu.memref_slice %arg13[%add3A_35, %dma_start3A_42] : memref<10000x128xf32, #tpu.memory_space<vmem_shared>> -> memref<200x128xf32, #tpu.memory_space<vmem_shared>>
        %dma_start3A_44 = arith.constant 0 : i32
        %dma_start3A_45 = tpu.memref_slice %arg13[%add3A_35, %dma_start3A_44] : memref<10000x128xf32, #tpu.memory_space<vmem_shared>> -> memref<200x128xf32, #tpu.memory_space<vmem_shared>>
        %dma_start3A_46 = arith.constant 0 : i32
        %dma_start3A_47 = arith.constant 0 : i32
        %dma_start3A_48 = tpu.memref_slice %arg12[%dma_start3A_46, %dma_start3A_47] : memref<200x128xf32, #tpu.memory_space<vmem>> -> memref<200x128xf32, #tpu.memory_space<vmem>>
        tpu.enqueue_dma source(%dma_start3A_48 : memref<200x128xf32, #tpu.memory_space<vmem>>) target(%dma_start3A_45 : memref<200x128xf32, #tpu.memory_space<vmem_shared>>) target_semaphore(%run_scoped3A : memref<!tpu.dma_semaphore, #tpu.memory_space<semaphore_mem>>)
        %dma_wait3A = arith.constant 0 : i32
        %dma_wait3A_49 = arith.constant 0 : i32
        %dma_wait3A_50 = tpu.memref_slice %arg12[%dma_wait3A, %dma_wait3A_49] : memref<200x128xf32, #tpu.memory_space<vmem>> -> memref<200x128xf32, #tpu.memory_space<vmem>>
        %dma_wait3A_51 = arith.constant 0 : i32
        %dma_wait3A_52 = tpu.memref_slice %arg13[%add3A_35, %dma_wait3A_51] : memref<10000x128xf32, #tpu.memory_space<vmem_shared>> -> memref<200x128xf32, #tpu.memory_space<vmem_shared>>
        %dma_wait3A_53 = arith.constant 0 : i32
        %dma_wait3A_54 = tpu.memref_slice %arg13[%add3A_35, %dma_wait3A_53] : memref<10000x128xf32, #tpu.memory_space<vmem_shared>> -> memref<200x128xf32, #tpu.memory_space<vmem_shared>>
        %dma_wait3A_55 = arith.constant 0 : i32
        %dma_wait3A_56 = arith.constant 0 : i32
        %dma_wait3A_57 = tpu.memref_slice %arg12[%dma_wait3A_55, %dma_wait3A_56] : memref<200x128xf32, #tpu.memory_space<vmem>> -> memref<200x128xf32, #tpu.memory_space<vmem>>
        tpu.wait_dma2 semaphore(%run_scoped3A : memref<!tpu.dma_semaphore, #tpu.memory_space<semaphore_mem>>) src(%dma_wait3A_57 : memref<200x128xf32, #tpu.memory_space<vmem>>) dst(%dma_wait3A_54 : memref<200x128xf32, #tpu.memory_space<vmem_shared>>)
        tpu.yield
      }) : () -> ()
      %add3A_36 = arith.constant 600 : i32
      %add3A_37 = arith.addi %mul3A_29, %add3A_36 : i32
      "tpu.region"() ({
        %run_scoped3A = tpu.sem_alloc : memref<!tpu.dma_semaphore, #tpu.memory_space<semaphore_mem>>
        %dma_start3A = arith.constant 0 : i32
        %dma_start3A_40 = arith.constant 0 : i32
        %dma_start3A_41 = tpu.memref_slice %arg12[%dma_start3A, %dma_start3A_40] : memref<200x128xf32, #tpu.memory_space<vmem>> -> memref<200x128xf32, #tpu.memory_space<vmem>>
        %dma_start3A_42 = arith.constant 0 : i32
        %dma_start3A_43 = tpu.memref_slice %arg13[%add3A_37, %dma_start3A_42] : memref<10000x128xf32, #tpu.memory_space<vmem_shared>> -> memref<200x128xf32, #tpu.memory_space<vmem_shared>>
        %dma_start3A_44 = arith.constant 0 : i32
        %dma_start3A_45 = tpu.memref_slice %arg13[%add3A_37, %dma_start3A_44] : memref<10000x128xf32, #tpu.memory_space<vmem_shared>> -> memref<200x128xf32, #tpu.memory_space<vmem_shared>>
        %dma_start3A_46 = arith.constant 0 : i32
        %dma_start3A_47 = arith.constant 0 : i32
        %dma_start3A_48 = tpu.memref_slice %arg12[%dma_start3A_46, %dma_start3A_47] : memref<200x128xf32, #tpu.memory_space<vmem>> -> memref<200x128xf32, #tpu.memory_space<vmem>>
        tpu.enqueue_dma source(%dma_start3A_48 : memref<200x128xf32, #tpu.memory_space<vmem>>) target(%dma_start3A_45 : memref<200x128xf32, #tpu.memory_space<vmem_shared>>) target_semaphore(%run_scoped3A : memref<!tpu.dma_semaphore, #tpu.memory_space<semaphore_mem>>)
        %dma_wait3A = arith.constant 0 : i32
        %dma_wait3A_49 = arith.constant 0 : i32
        %dma_wait3A_50 = tpu.memref_slice %arg12[%dma_wait3A, %dma_wait3A_49] : memref<200x128xf32, #tpu.memory_space<vmem>> -> memref<200x128xf32, #tpu.memory_space<vmem>>
        %dma_wait3A_51 = arith.constant 0 : i32
        %dma_wait3A_52 = tpu.memref_slice %arg13[%add3A_37, %dma_wait3A_51] : memref<10000x128xf32, #tpu.memory_space<vmem_shared>> -> memref<200x128xf32, #tpu.memory_space<vmem_shared>>
        %dma_wait3A_53 = arith.constant 0 : i32
        %dma_wait3A_54 = tpu.memref_slice %arg13[%add3A_37, %dma_wait3A_53] : memref<10000x128xf32, #tpu.memory_space<vmem_shared>> -> memref<200x128xf32, #tpu.memory_space<vmem_shared>>
        %dma_wait3A_55 = arith.constant 0 : i32
        %dma_wait3A_56 = arith.constant 0 : i32
        %dma_wait3A_57 = tpu.memref_slice %arg12[%dma_wait3A_55, %dma_wait3A_56] : memref<200x128xf32, #tpu.memory_space<vmem>> -> memref<200x128xf32, #tpu.memory_space<vmem>>
        tpu.wait_dma2 semaphore(%run_scoped3A : memref<!tpu.dma_semaphore, #tpu.memory_space<semaphore_mem>>) src(%dma_wait3A_57 : memref<200x128xf32, #tpu.memory_space<vmem>>) dst(%dma_wait3A_54 : memref<200x128xf32, #tpu.memory_space<vmem_shared>>)
        tpu.yield
      }) : () -> ()
      %add3A_38 = arith.constant 800 : i32
      %add3A_39 = arith.addi %mul3A_29, %add3A_38 : i32
      "tpu.region"() ({
        %run_scoped3A = tpu.sem_alloc : memref<!tpu.dma_semaphore, #tpu.memory_space<semaphore_mem>>
        %dma_start3A = arith.constant 0 : i32
        %dma_start3A_40 = arith.constant 0 : i32
        %dma_start3A_41 = tpu.memref_slice %arg12[%dma_start3A, %dma_start3A_40] : memref<200x128xf32, #tpu.memory_space<vmem>> -> memref<200x128xf32, #tpu.memory_space<vmem>>
        %dma_start3A_42 = arith.constant 0 : i32
        %dma_start3A_43 = tpu.memref_slice %arg13[%add3A_39, %dma_start3A_42] : memref<10000x128xf32, #tpu.memory_space<vmem_shared>> -> memref<200x128xf32, #tpu.memory_space<vmem_shared>>
        %dma_start3A_44 = arith.constant 0 : i32
        %dma_start3A_45 = tpu.memref_slice %arg13[%add3A_39, %dma_start3A_44] : memref<10000x128xf32, #tpu.memory_space<vmem_shared>> -> memref<200x128xf32, #tpu.memory_space<vmem_shared>>
        %dma_start3A_46 = arith.constant 0 : i32
        %dma_start3A_47 = arith.constant 0 : i32
        %dma_start3A_48 = tpu.memref_slice %arg12[%dma_start3A_46, %dma_start3A_47] : memref<200x128xf32, #tpu.memory_space<vmem>> -> memref<200x128xf32, #tpu.memory_space<vmem>>
        tpu.enqueue_dma source(%dma_start3A_48 : memref<200x128xf32, #tpu.memory_space<vmem>>) target(%dma_start3A_45 : memref<200x128xf32, #tpu.memory_space<vmem_shared>>) target_semaphore(%run_scoped3A : memref<!tpu.dma_semaphore, #tpu.memory_space<semaphore_mem>>)
        %dma_wait3A = arith.constant 0 : i32
        %dma_wait3A_49 = arith.constant 0 : i32
        %dma_wait3A_50 = tpu.memref_slice %arg12[%dma_wait3A, %dma_wait3A_49] : memref<200x128xf32, #tpu.memory_space<vmem>> -> memref<200x128xf32, #tpu.memory_space<vmem>>
        %dma_wait3A_51 = arith.constant 0 : i32
        %dma_wait3A_52 = tpu.memref_slice %arg13[%add3A_39, %dma_wait3A_51] : memref<10000x128xf32, #tpu.memory_space<vmem_shared>> -> memref<200x128xf32, #tpu.memory_space<vmem_shared>>
        %dma_wait3A_53 = arith.constant 0 : i32
        %dma_wait3A_54 = tpu.memref_slice %arg13[%add3A_39, %dma_wait3A_53] : memref<10000x128xf32, #tpu.memory_space<vmem_shared>> -> memref<200x128xf32, #tpu.memory_space<vmem_shared>>
        %dma_wait3A_55 = arith.constant 0 : i32
        %dma_wait3A_56 = arith.constant 0 : i32
        %dma_wait3A_57 = tpu.memref_slice %arg12[%dma_wait3A_55, %dma_wait3A_56] : memref<200x128xf32, #tpu.memory_space<vmem>> -> memref<200x128xf32, #tpu.memory_space<vmem>>
        tpu.wait_dma2 semaphore(%run_scoped3A : memref<!tpu.dma_semaphore, #tpu.memory_space<semaphore_mem>>) src(%dma_wait3A_57 : memref<200x128xf32, #tpu.memory_space<vmem>>) dst(%dma_wait3A_54 : memref<200x128xf32, #tpu.memory_space<vmem_shared>>)
        tpu.yield
      }) : () -> ()
    } else {
    }
    %scan3A_10 = arith.constant 0 : i32
    %scan3A_11 = arith.constant 0 : i32
    %scan3A_12 = arith.constant 80 : i32
    %scan3A_13 = arith.addi %scan3A_11, %scan3A_12 : i32
    %scan3A_14 = arith.constant 1 : i32
    scf.for %scan3A_28 = %scan3A_11 to %scan3A_13 step %scan3A_14  : i32 {
      %broadcast_in_dim3A = arith.constant 1.000000e+00 : f32
      %broadcast_in_dim3A_29 = vector.broadcast %broadcast_in_dim3A : f32 to vector<16xf32>
      %swap3A = arith.index_cast %scan3A_28 : i32 to index
      %swap3A_30 = arith.constant 0 : index
      %swap3A_31 = tpu.vector_load %arg12[%swap3A, %swap3A_30] {strides = array<i32>} : memref<200x128xf32, #tpu.memory_space<vmem>>, vector<1x16xf32>,
      %swap3A_32 = vector.shape_cast %swap3A_31 : vector<1x16xf32> to vector<16xf32>
      %swap3A_33 = vector.shape_cast %broadcast_in_dim3A_29 : vector<16xf32> to vector<1x16xf32>
      tpu.vector_store %arg12[%swap3A, %swap3A_30], %swap3A_33 {strides = array<i32>} : memref<200x128xf32, #tpu.memory_space<vmem>>, vector<1x16xf32>,
      %broadcast_in_dim3A_34 = arith.constant 1.000000e+00 : f32
      %broadcast_in_dim3A_35 = vector.broadcast %broadcast_in_dim3A_34 : f32 to vector<16xf32>
      %swap3A_36 = arith.index_cast %scan3A_28 : i32 to index
      %swap3A_37 = arith.constant 16 : index
      %swap3A_38 = tpu.vector_load %arg12[%swap3A_36, %swap3A_37] {strides = array<i32>} : memref<200x128xf32, #tpu.memory_space<vmem>>, vector<1x16xf32>,
      %swap3A_39 = vector.shape_cast %swap3A_38 : vector<1x16xf32> to vector<16xf32>
      %swap3A_40 = vector.shape_cast %broadcast_in_dim3A_35 : vector<16xf32> to vector<1x16xf32>
      tpu.vector_store %arg12[%swap3A_36, %swap3A_37], %swap3A_40 {strides = array<i32>} : memref<200x128xf32, #tpu.memory_space<vmem>>, vector<1x16xf32>,
      %broadcast_in_dim3A_41 = arith.constant 1.000000e+00 : f32
      %broadcast_in_dim3A_42 = vector.broadcast %broadcast_in_dim3A_41 : f32 to vector<16xf32>
      %swap3A_43 = arith.index_cast %scan3A_28 : i32 to index
      %swap3A_44 = arith.constant 32 : index
      %swap3A_45 = tpu.vector_load %arg12[%swap3A_43, %swap3A_44] {strides = array<i32>} : memref<200x128xf32, #tpu.memory_space<vmem>>, vector<1x16xf32>,
      %swap3A_46 = vector.shape_cast %swap3A_45 : vector<1x16xf32> to vector<16xf32>
      %swap3A_47 = vector.shape_cast %broadcast_in_dim3A_42 : vector<16xf32> to vector<1x16xf32>
      tpu.vector_store %arg12[%swap3A_43, %swap3A_44], %swap3A_47 {strides = array<i32>} : memref<200x128xf32, #tpu.memory_space<vmem>>, vector<1x16xf32>,
      %broadcast_in_dim3A_48 = arith.constant 1.000000e+00 : f32
      %broadcast_in_dim3A_49 = vector.broadcast %broadcast_in_dim3A_48 : f32 to vector<16xf32>
      %swap3A_50 = arith.index_cast %scan3A_28 : i32 to index
      %swap3A_51 = arith.constant 48 : index
      %swap3A_52 = tpu.vector_load %arg12[%swap3A_50, %swap3A_51] {strides = array<i32>} : memref<200x128xf32, #tpu.memory_space<vmem>>, vector<1x16xf32>,
      %swap3A_53 = vector.shape_cast %swap3A_52 : vector<1x16xf32> to vector<16xf32>
      %swap3A_54 = vector.shape_cast %broadcast_in_dim3A_49 : vector<16xf32> to vector<1x16xf32>
      tpu.vector_store %arg12[%swap3A_50, %swap3A_51], %swap3A_54 {strides = array<i32>} : memref<200x128xf32, #tpu.memory_space<vmem>>, vector<1x16xf32>,
      %broadcast_in_dim3A_55 = arith.constant 1.000000e+00 : f32
      %broadcast_in_dim3A_56 = vector.broadcast %broadcast_in_dim3A_55 : f32 to vector<16xf32>
      %swap3A_57 = arith.index_cast %scan3A_28 : i32 to index
      %swap3A_58 = arith.constant 64 : index
      %swap3A_59 = tpu.vector_load %arg12[%swap3A_57, %swap3A_58] {strides = array<i32>} : memref<200x128xf32, #tpu.memory_space<vmem>>, vector<1x16xf32>,
      %swap3A_60 = vector.shape_cast %swap3A_59 : vector<1x16xf32> to vector<16xf32>
      %swap3A_61 = vector.shape_cast %broadcast_in_dim3A_56 : vector<16xf32> to vector<1x16xf32>
      tpu.vector_store %arg12[%swap3A_57, %swap3A_58], %swap3A_61 {strides = array<i32>} : memref<200x128xf32, #tpu.memory_space<vmem>>, vector<1x16xf32>,
      %broadcast_in_dim3A_62 = arith.constant 1.000000e+00 : f32
      %broadcast_in_dim3A_63 = vector.broadcast %broadcast_in_dim3A_62 : f32 to vector<16xf32>
      %swap3A_64 = arith.index_cast %scan3A_28 : i32 to index
      %swap3A_65 = arith.constant 80 : index
      %swap3A_66 = tpu.vector_load %arg12[%swap3A_64, %swap3A_65] {strides = array<i32>} : memref<200x128xf32, #tpu.memory_space<vmem>>, vector<1x16xf32>,
      %swap3A_67 = vector.shape_cast %swap3A_66 : vector<1x16xf32> to vector<16xf32>
      %swap3A_68 = vector.shape_cast %broadcast_in_dim3A_63 : vector<16xf32> to vector<1x16xf32>
      tpu.vector_store %arg12[%swap3A_64, %swap3A_65], %swap3A_68 {strides = array<i32>} : memref<200x128xf32, #tpu.memory_space<vmem>>, vector<1x16xf32>,
      %broadcast_in_dim3A_69 = arith.constant 1.000000e+00 : f32
      %broadcast_in_dim3A_70 = vector.broadcast %broadcast_in_dim3A_69 : f32 to vector<16xf32>
      %swap3A_71 = arith.index_cast %scan3A_28 : i32 to index
      %swap3A_72 = arith.constant 96 : index
      %swap3A_73 = tpu.vector_load %arg12[%swap3A_71, %swap3A_72] {strides = array<i32>} : memref<200x128xf32, #tpu.memory_space<vmem>>, vector<1x16xf32>,
      %swap3A_74 = vector.shape_cast %swap3A_73 : vector<1x16xf32> to vector<16xf32>
      %swap3A_75 = vector.shape_cast %broadcast_in_dim3A_70 : vector<16xf32> to vector<1x16xf32>
      tpu.vector_store %arg12[%swap3A_71, %swap3A_72], %swap3A_75 {strides = array<i32>} : memref<200x128xf32, #tpu.memory_space<vmem>>, vector<1x16xf32>,
      %broadcast_in_dim3A_76 = arith.constant 1.000000e+00 : f32
      %broadcast_in_dim3A_77 = vector.broadcast %broadcast_in_dim3A_76 : f32 to vector<16xf32>
      %swap3A_78 = arith.index_cast %scan3A_28 : i32 to index
      %swap3A_79 = arith.constant 112 : index
      %swap3A_80 = tpu.vector_load %arg12[%swap3A_78, %swap3A_79] {strides = array<i32>} : memref<200x128xf32, #tpu.memory_space<vmem>>, vector<1x16xf32>,
      %swap3A_81 = vector.shape_cast %swap3A_80 : vector<1x16xf32> to vector<16xf32>
      %swap3A_82 = vector.shape_cast %broadcast_in_dim3A_77 : vector<16xf32> to vector<1x16xf32>
      tpu.vector_store %arg12[%swap3A_78, %swap3A_79], %swap3A_82 {strides = array<i32>} : memref<200x128xf32, #tpu.memory_space<vmem>>, vector<1x16xf32>,
    }
    %scan3A_15 = arith.constant 80 : i32
    %barrier3A = arith.constant 0 : index
    tpu.barrier barrier_id(%barrier3A)
    %scan3A_16 = arith.constant 0 : i32
    %scan3A_17 = arith.constant 0 : i32
    %scan3A_18 = arith.constant 125 : i32
    %scan3A_19 = arith.addi %scan3A_17, %scan3A_18 : i32
    %scan3A_20 = arith.constant 1 : i32
    scf.for %scan3A_28 = %scan3A_17 to %scan3A_19 step %scan3A_20  : i32 {
      %mul3A_29 = arith.constant 80 : i32
      %mul3A_30 = arith.muli %scan3A_28, %mul3A_29 : i32
      %add3A_31 = arith.addi %mul3A_2, %mul3A_30 : i32
      "tpu.region"() ({
        %run_scoped3A = tpu.sem_alloc : memref<!tpu.dma_semaphore, #tpu.memory_space<semaphore_mem>>
        %dma_start3A_48 = tpu.memref_slice %arg4[%add3A_31] : memref<320000xi32, #tpu.memory_space<hbm>> -> memref<80xi32, #tpu.memory_space<hbm>>
        %dma_start3A_49 = tpu.memref_slice %arg4[%add3A_31] : memref<320000xi32, #tpu.memory_space<hbm>> -> memref<80xi32, #tpu.memory_space<hbm>>
        tpu.enqueue_dma source(%dma_start3A_49 : memref<80xi32, #tpu.memory_space<hbm>>) target(%arg8 : memref<80xi32, #tpu.memory_space<vmem>>) target_semaphore(%run_scoped3A : memref<!tpu.dma_semaphore, #tpu.memory_space<semaphore_mem>>)
        %dma_wait3A_50 = tpu.memref_slice %arg4[%add3A_31] : memref<320000xi32, #tpu.memory_space<hbm>> -> memref<80xi32, #tpu.memory_space<hbm>>
        %dma_wait3A_51 = tpu.memref_slice %arg4[%add3A_31] : memref<320000xi32, #tpu.memory_space<hbm>> -> memref<80xi32, #tpu.memory_space<hbm>>
        tpu.wait_dma2 semaphore(%run_scoped3A : memref<!tpu.dma_semaphore, #tpu.memory_space<semaphore_mem>>) src(%dma_wait3A_51 : memref<80xi32, #tpu.memory_space<hbm>>) dst(%arg8 : memref<80xi32, #tpu.memory_space<vmem>>)
        tpu.yield
      }) : () -> ()
      "tpu.region"() ({
        %run_scoped3A = tpu.sem_alloc : memref<!tpu.dma_semaphore, #tpu.memory_space<semaphore_mem>>
        %dma_start3A_48 = tpu.memref_slice %arg5[%add3A_31] : memref<320000xi32, #tpu.memory_space<hbm>> -> memref<80xi32, #tpu.memory_space<hbm>>
        %dma_start3A_49 = tpu.memref_slice %arg5[%add3A_31] : memref<320000xi32, #tpu.memory_space<hbm>> -> memref<80xi32, #tpu.memory_space<hbm>>
        tpu.enqueue_dma source(%dma_start3A_49 : memref<80xi32, #tpu.memory_space<hbm>>) target(%arg9 : memref<80xi32, #tpu.memory_space<vmem>>) target_semaphore(%run_scoped3A : memref<!tpu.dma_semaphore, #tpu.memory_space<semaphore_mem>>)
        %dma_wait3A_50 = tpu.memref_slice %arg5[%add3A_31] : memref<320000xi32, #tpu.memory_space<hbm>> -> memref<80xi32, #tpu.memory_space<hbm>>
        %dma_wait3A_51 = tpu.memref_slice %arg5[%add3A_31] : memref<320000xi32, #tpu.memory_space<hbm>> -> memref<80xi32, #tpu.memory_space<hbm>>
        tpu.wait_dma2 semaphore(%run_scoped3A : memref<!tpu.dma_semaphore, #tpu.memory_space<semaphore_mem>>) src(%dma_wait3A_51 : memref<80xi32, #tpu.memory_space<hbm>>) dst(%arg9 : memref<80xi32, #tpu.memory_space<vmem>>)
        tpu.yield
      }) : () -> ()
      %dma_start3A = arith.constant 0 : i32
      %dma_start3A_32 = arith.constant 0 : i32
      %dma_start3A_33 = tpu.memref_slice %arg2[%dma_start3A, %dma_start3A_32] : memref<10000x128xf32, #tpu.memory_space<hbm>> -> memref<10000x128xf32, #tpu.memory_space<hbm>>
      tpu.enqueue_indirect_dma source(%dma_start3A_33 : memref<10000x128xf32, #tpu.memory_space<hbm>>) target(%arg10 : memref<80x128xf32, #tpu.memory_space<vmem>>) offsets(%arg8 : memref<80xi32, #tpu.memory_space<vmem>>) semaphore(%arg14 : memref<!tpu.dma_semaphore, #tpu.memory_space<semaphore_mem>>)
      %dma_start3A_34 = arith.constant 0 : i32
      %dma_start3A_35 = arith.constant 0 : i32
      %dma_start3A_36 = tpu.memref_slice %arg3[%dma_start3A_34, %dma_start3A_35] : memref<10000x128xf32, #tpu.memory_space<hbm>> -> memref<10000x128xf32, #tpu.memory_space<hbm>>
      tpu.enqueue_indirect_dma source(%dma_start3A_36 : memref<10000x128xf32, #tpu.memory_space<hbm>>) target(%arg11 : memref<80x128xf32, #tpu.memory_space<vmem>>) offsets(%arg9 : memref<80xi32, #tpu.memory_space<vmem>>) semaphore(%arg15 : memref<!tpu.dma_semaphore, #tpu.memory_space<semaphore_mem>>)
      %dma_wait3A = arith.constant 0 : i32
      %dma_wait3A_37 = arith.constant 0 : i32
      %dma_wait3A_38 = tpu.memref_slice %arg2[%dma_wait3A, %dma_wait3A_37] : memref<10000x128xf32, #tpu.memory_space<hbm>> -> memref<10000x128xf32, #tpu.memory_space<hbm>>
      tpu.wait_indirect_dma semaphore(%arg14 : memref<!tpu.dma_semaphore, #tpu.memory_space<semaphore_mem>>) src(%dma_wait3A_38 : memref<10000x128xf32, #tpu.memory_space<hbm>>) dst(%arg10 : memref<80x128xf32, #tpu.memory_space<vmem>>)
      %dma_wait3A_39 = arith.constant 0 : i32
      %dma_wait3A_40 = arith.constant 0 : i32
      %dma_wait3A_41 = tpu.memref_slice %arg3[%dma_wait3A_39, %dma_wait3A_40] : memref<10000x128xf32, #tpu.memory_space<hbm>> -> memref<10000x128xf32, #tpu.memory_space<hbm>>
      tpu.wait_indirect_dma semaphore(%arg15 : memref<!tpu.dma_semaphore, #tpu.memory_space<semaphore_mem>>) src(%dma_wait3A_41 : memref<10000x128xf32, #tpu.memory_space<hbm>>) dst(%arg11 : memref<80x128xf32, #tpu.memory_space<vmem>>)
      %scan3A_42 = arith.constant 0 : i32
      %scan3A_43 = arith.constant 0 : i32
      %scan3A_44 = arith.constant 80 : i32
      %scan3A_45 = arith.addi %scan3A_43, %scan3A_44 : i32
      %scan3A_46 = arith.constant 1 : i32
      scf.for %scan3A_48 = %scan3A_43 to %scan3A_45 step %scan3A_46  : i32 {
        %get3A = arith.index_cast %scan3A_48 : i32 to index
        %get3A_49 = arith.constant 0 : index
        %get3A_50 = tpu.vector_load %arg10[%get3A, %get3A_49] {strides = array<i32>} : memref<80x128xf32, #tpu.memory_space<vmem>>, vector<1x16xf32>,
        %get3A_51 = vector.shape_cast %get3A_50 : vector<1x16xf32> to vector<16xf32>
        %get3A_52 = arith.index_cast %scan3A_48 : i32 to index
        %get3A_53 = arith.constant 0 : index
        %get3A_54 = tpu.vector_load %arg11[%get3A_52, %get3A_53] {strides = array<i32>} : memref<80x128xf32, #tpu.memory_space<vmem>>, vector<1x16xf32>,
        %get3A_55 = vector.shape_cast %get3A_54 : vector<1x16xf32> to vector<16xf32>
        %add3A_56 = arith.addf %get3A_51, %get3A_55 : vector<16xf32>
        %swap3A = arith.index_cast %scan3A_48 : i32 to index
        %swap3A_57 = arith.constant 0 : index
        %swap3A_58 = tpu.vector_load %arg10[%swap3A, %swap3A_57] {strides = array<i32>} : memref<80x128xf32, #tpu.memory_space<vmem>>, vector<1x16xf32>,
        %swap3A_59 = vector.shape_cast %swap3A_58 : vector<1x16xf32> to vector<16xf32>
        %swap3A_60 = vector.shape_cast %add3A_56 : vector<16xf32> to vector<1x16xf32>
        tpu.vector_store %arg10[%swap3A, %swap3A_57], %swap3A_60 {strides = array<i32>} : memref<80x128xf32, #tpu.memory_space<vmem>>, vector<1x16xf32>,
        %get3A_61 = arith.index_cast %scan3A_48 : i32 to index
        %get3A_62 = arith.constant 16 : index
        %get3A_63 = tpu.vector_load %arg10[%get3A_61, %get3A_62] {strides = array<i32>} : memref<80x128xf32, #tpu.memory_space<vmem>>, vector<1x16xf32>,
        %get3A_64 = vector.shape_cast %get3A_63 : vector<1x16xf32> to vector<16xf32>
        %get3A_65 = arith.index_cast %scan3A_48 : i32 to index
        %get3A_66 = arith.constant 16 : index
        %get3A_67 = tpu.vector_load %arg11[%get3A_65, %get3A_66] {strides = array<i32>} : memref<80x128xf32, #tpu.memory_space<vmem>>, vector<1x16xf32>,
        %get3A_68 = vector.shape_cast %get3A_67 : vector<1x16xf32> to vector<16xf32>
        %add3A_69 = arith.addf %get3A_64, %get3A_68 : vector<16xf32>
        %swap3A_70 = arith.index_cast %scan3A_48 : i32 to index
        %swap3A_71 = arith.constant 16 : index
        %swap3A_72 = tpu.vector_load %arg10[%swap3A_70, %swap3A_71] {strides = array<i32>} : memref<80x128xf32, #tpu.memory_space<vmem>>, vector<1x16xf32>,
        %swap3A_73 = vector.shape_cast %swap3A_72 : vector<1x16xf32> to vector<16xf32>
        %swap3A_74 = vector.shape_cast %add3A_69 : vector<16xf32> to vector<1x16xf32>
        tpu.vector_store %arg10[%swap3A_70, %swap3A_71], %swap3A_74 {strides = array<i32>} : memref<80x128xf32, #tpu.memory_space<vmem>>, vector<1x16xf32>,
        %get3A_75 = arith.index_cast %scan3A_48 : i32 to index
        %get3A_76 = arith.constant 32 : index
        %get3A_77 = tpu.vector_load %arg10[%get3A_75, %get3A_76] {strides = array<i32>} : memref<80x128xf32, #tpu.memory_space<vmem>>, vector<1x16xf32>,
        %get3A_78 = vector.shape_cast %get3A_77 : vector<1x16xf32> to vector<16xf32>
        %get3A_79 = arith.index_cast %scan3A_48 : i32 to index
        %get3A_80 = arith.constant 32 : index
        %get3A_81 = tpu.vector_load %arg11[%get3A_79, %get3A_80] {strides = array<i32>} : memref<80x128xf32, #tpu.memory_space<vmem>>, vector<1x16xf32>,
        %get3A_82 = vector.shape_cast %get3A_81 : vector<1x16xf32> to vector<16xf32>
        %add3A_83 = arith.addf %get3A_78, %get3A_82 : vector<16xf32>
        %swap3A_84 = arith.index_cast %scan3A_48 : i32 to index
        %swap3A_85 = arith.constant 32 : index
        %swap3A_86 = tpu.vector_load %arg10[%swap3A_84, %swap3A_85] {strides = array<i32>} : memref<80x128xf32, #tpu.memory_space<vmem>>, vector<1x16xf32>,
        %swap3A_87 = vector.shape_cast %swap3A_86 : vector<1x16xf32> to vector<16xf32>
        %swap3A_88 = vector.shape_cast %add3A_83 : vector<16xf32> to vector<1x16xf32>
        tpu.vector_store %arg10[%swap3A_84, %swap3A_85], %swap3A_88 {strides = array<i32>} : memref<80x128xf32, #tpu.memory_space<vmem>>, vector<1x16xf32>,
        %get3A_89 = arith.index_cast %scan3A_48 : i32 to index
        %get3A_90 = arith.constant 48 : index
        %get3A_91 = tpu.vector_load %arg10[%get3A_89, %get3A_90] {strides = array<i32>} : memref<80x128xf32, #tpu.memory_space<vmem>>, vector<1x16xf32>,
        %get3A_92 = vector.shape_cast %get3A_91 : vector<1x16xf32> to vector<16xf32>
        %get3A_93 = arith.index_cast %scan3A_48 : i32 to index
        %get3A_94 = arith.constant 48 : index
        %get3A_95 = tpu.vector_load %arg11[%get3A_93, %get3A_94] {strides = array<i32>} : memref<80x128xf32, #tpu.memory_space<vmem>>, vector<1x16xf32>,
        %get3A_96 = vector.shape_cast %get3A_95 : vector<1x16xf32> to vector<16xf32>
        %add3A_97 = arith.addf %get3A_92, %get3A_96 : vector<16xf32>
        %swap3A_98 = arith.index_cast %scan3A_48 : i32 to index
        %swap3A_99 = arith.constant 48 : index
        %swap3A_100 = tpu.vector_load %arg10[%swap3A_98, %swap3A_99] {strides = array<i32>} : memref<80x128xf32, #tpu.memory_space<vmem>>, vector<1x16xf32>,
        %swap3A_101 = vector.shape_cast %swap3A_100 : vector<1x16xf32> to vector<16xf32>
        %swap3A_102 = vector.shape_cast %add3A_97 : vector<16xf32> to vector<1x16xf32>
        tpu.vector_store %arg10[%swap3A_98, %swap3A_99], %swap3A_102 {strides = array<i32>} : memref<80x128xf32, #tpu.memory_space<vmem>>, vector<1x16xf32>,
        %get3A_103 = arith.index_cast %scan3A_48 : i32 to index
        %get3A_104 = arith.constant 64 : index
        %get3A_105 = tpu.vector_load %arg10[%get3A_103, %get3A_104] {strides = array<i32>} : memref<80x128xf32, #tpu.memory_space<vmem>>, vector<1x16xf32>,
        %get3A_106 = vector.shape_cast %get3A_105 : vector<1x16xf32> to vector<16xf32>
        %get3A_107 = arith.index_cast %scan3A_48 : i32 to index
        %get3A_108 = arith.constant 64 : index
        %get3A_109 = tpu.vector_load %arg11[%get3A_107, %get3A_108] {strides = array<i32>} : memref<80x128xf32, #tpu.memory_space<vmem>>, vector<1x16xf32>,
        %get3A_110 = vector.shape_cast %get3A_109 : vector<1x16xf32> to vector<16xf32>
        %add3A_111 = arith.addf %get3A_106, %get3A_110 : vector<16xf32>
        %swap3A_112 = arith.index_cast %scan3A_48 : i32 to index
        %swap3A_113 = arith.constant 64 : index
        %swap3A_114 = tpu.vector_load %arg10[%swap3A_112, %swap3A_113] {strides = array<i32>} : memref<80x128xf32, #tpu.memory_space<vmem>>, vector<1x16xf32>,
        %swap3A_115 = vector.shape_cast %swap3A_114 : vector<1x16xf32> to vector<16xf32>
        %swap3A_116 = vector.shape_cast %add3A_111 : vector<16xf32> to vector<1x16xf32>
        tpu.vector_store %arg10[%swap3A_112, %swap3A_113], %swap3A_116 {strides = array<i32>} : memref<80x128xf32, #tpu.memory_space<vmem>>, vector<1x16xf32>,
        %get3A_117 = arith.index_cast %scan3A_48 : i32 to index
        %get3A_118 = arith.constant 80 : index
        %get3A_119 = tpu.vector_load %arg10[%get3A_117, %get3A_118] {strides = array<i32>} : memref<80x128xf32, #tpu.memory_space<vmem>>, vector<1x16xf32>,
        %get3A_120 = vector.shape_cast %get3A_119 : vector<1x16xf32> to vector<16xf32>
        %get3A_121 = arith.index_cast %scan3A_48 : i32 to index
        %get3A_122 = arith.constant 80 : index
        %get3A_123 = tpu.vector_load %arg11[%get3A_121, %get3A_122] {strides = array<i32>} : memref<80x128xf32, #tpu.memory_space<vmem>>, vector<1x16xf32>,
        %get3A_124 = vector.shape_cast %get3A_123 : vector<1x16xf32> to vector<16xf32>
        %add3A_125 = arith.addf %get3A_120, %get3A_124 : vector<16xf32>
        %swap3A_126 = arith.index_cast %scan3A_48 : i32 to index
        %swap3A_127 = arith.constant 80 : index
        %swap3A_128 = tpu.vector_load %arg10[%swap3A_126, %swap3A_127] {strides = array<i32>} : memref<80x128xf32, #tpu.memory_space<vmem>>, vector<1x16xf32>,
        %swap3A_129 = vector.shape_cast %swap3A_128 : vector<1x16xf32> to vector<16xf32>
        %swap3A_130 = vector.shape_cast %add3A_125 : vector<16xf32> to vector<1x16xf32>
        tpu.vector_store %arg10[%swap3A_126, %swap3A_127], %swap3A_130 {strides = array<i32>} : memref<80x128xf32, #tpu.memory_space<vmem>>, vector<1x16xf32>,
        %get3A_131 = arith.index_cast %scan3A_48 : i32 to index
        %get3A_132 = arith.constant 96 : index
        %get3A_133 = tpu.vector_load %arg10[%get3A_131, %get3A_132] {strides = array<i32>} : memref<80x128xf32, #tpu.memory_space<vmem>>, vector<1x16xf32>,
        %get3A_134 = vector.shape_cast %get3A_133 : vector<1x16xf32> to vector<16xf32>
        %get3A_135 = arith.index_cast %scan3A_48 : i32 to index
        %get3A_136 = arith.constant 96 : index
        %get3A_137 = tpu.vector_load %arg11[%get3A_135, %get3A_136] {strides = array<i32>} : memref<80x128xf32, #tpu.memory_space<vmem>>, vector<1x16xf32>,
        %get3A_138 = vector.shape_cast %get3A_137 : vector<1x16xf32> to vector<16xf32>
        %add3A_139 = arith.addf %get3A_134, %get3A_138 : vector<16xf32>
        %swap3A_140 = arith.index_cast %scan3A_48 : i32 to index
        %swap3A_141 = arith.constant 96 : index
        %swap3A_142 = tpu.vector_load %arg10[%swap3A_140, %swap3A_141] {strides = array<i32>} : memref<80x128xf32, #tpu.memory_space<vmem>>, vector<1x16xf32>,
        %swap3A_143 = vector.shape_cast %swap3A_142 : vector<1x16xf32> to vector<16xf32>
        %swap3A_144 = vector.shape_cast %add3A_139 : vector<16xf32> to vector<1x16xf32>
        tpu.vector_store %arg10[%swap3A_140, %swap3A_141], %swap3A_144 {strides = array<i32>} : memref<80x128xf32, #tpu.memory_space<vmem>>, vector<1x16xf32>,
        %get3A_145 = arith.index_cast %scan3A_48 : i32 to index
        %get3A_146 = arith.constant 112 : index
        %get3A_147 = tpu.vector_load %arg10[%get3A_145, %get3A_146] {strides = array<i32>} : memref<80x128xf32, #tpu.memory_space<vmem>>, vector<1x16xf32>,
        %get3A_148 = vector.shape_cast %get3A_147 : vector<1x16xf32> to vector<16xf32>
        %get3A_149 = arith.index_cast %scan3A_48 : i32 to index
        %get3A_150 = arith.constant 112 : index
        %get3A_151 = tpu.vector_load %arg11[%get3A_149, %get3A_150] {strides = array<i32>} : memref<80x128xf32, #tpu.memory_space<vmem>>, vector<1x16xf32>,
        %get3A_152 = vector.shape_cast %get3A_151 : vector<1x16xf32> to vector<16xf32>
        %add3A_153 = arith.addf %get3A_148, %get3A_152 : vector<16xf32>
        %swap3A_154 = arith.index_cast %scan3A_48 : i32 to index
        %swap3A_155 = arith.constant 112 : index
        %swap3A_156 = tpu.vector_load %arg10[%swap3A_154, %swap3A_155] {strides = array<i32>} : memref<80x128xf32, #tpu.memory_space<vmem>>, vector<1x16xf32>,
        %swap3A_157 = vector.shape_cast %swap3A_156 : vector<1x16xf32> to vector<16xf32>
        %swap3A_158 = vector.shape_cast %add3A_153 : vector<16xf32> to vector<1x16xf32>
        tpu.vector_store %arg10[%swap3A_154, %swap3A_155], %swap3A_158 {strides = array<i32>} : memref<80x128xf32, #tpu.memory_space<vmem>>, vector<1x16xf32>,
      }
      %scan3A_47 = arith.constant 80 : i32
      "tpu.region"() ({
        %run_scoped3A = tpu.sem_alloc : memref<!tpu.dma_semaphore, #tpu.memory_space<semaphore_mem>>
        %dma_start3A_48 = arith.constant 0 : i32
        %dma_start3A_49 = tpu.memref_slice %arg6[%add3A_31, %dma_start3A_48] : memref<320000x128xf32, #tpu.memory_space<hbm>> -> memref<80x128xf32, #tpu.memory_space<hbm>>
        %dma_start3A_50 = arith.constant 0 : i32
        %dma_start3A_51 = tpu.memref_slice %arg6[%add3A_31, %dma_start3A_50] : memref<320000x128xf32, #tpu.memory_space<hbm>> -> memref<80x128xf32, #tpu.memory_space<hbm>>
        tpu.enqueue_dma source(%arg10 : memref<80x128xf32, #tpu.memory_space<vmem>>) target(%dma_start3A_51 : memref<80x128xf32, #tpu.memory_space<hbm>>) target_semaphore(%run_scoped3A : memref<!tpu.dma_semaphore, #tpu.memory_space<semaphore_mem>>)
        %dma_wait3A_52 = arith.constant 0 : i32
        %dma_wait3A_53 = tpu.memref_slice %arg6[%add3A_31, %dma_wait3A_52] : memref<320000x128xf32, #tpu.memory_space<hbm>> -> memref<80x128xf32, #tpu.memory_space<hbm>>
        %dma_wait3A_54 = arith.constant 0 : i32
        %dma_wait3A_55 = tpu.memref_slice %arg6[%add3A_31, %dma_wait3A_54] : memref<320000x128xf32, #tpu.memory_space<hbm>> -> memref<80x128xf32, #tpu.memory_space<hbm>>
        tpu.wait_dma2 semaphore(%run_scoped3A : memref<!tpu.dma_semaphore, #tpu.memory_space<semaphore_mem>>) src(%arg10 : memref<80x128xf32, #tpu.memory_space<vmem>>) dst(%dma_wait3A_55 : memref<80x128xf32, #tpu.memory_space<hbm>>)
        tpu.yield
      }) : () -> ()
      "tpu.region"() ({
        %run_scoped3A = tpu.sem_alloc : memref<!tpu.dma_semaphore, #tpu.memory_space<semaphore_mem>>
        %dma_start3A_48 = arith.constant 0 : i32
        %dma_start3A_49 = arith.constant 0 : i32
        %dma_start3A_50 = tpu.memref_slice %arg12[%dma_start3A_48, %dma_start3A_49] : memref<200x128xf32, #tpu.memory_space<vmem>> -> memref<80x128xf32, #tpu.memory_space<vmem>>
        %dma_start3A_51 = arith.constant 0 : i32
        %dma_start3A_52 = arith.constant 0 : i32
        %dma_start3A_53 = tpu.memref_slice %arg13[%dma_start3A_51, %dma_start3A_52] : memref<10000x128xf32, #tpu.memory_space<vmem_shared>> -> memref<10000x128xf32, #tpu.memory_space<vmem_shared>>
        tpu.enqueue_indirect_dma source(%dma_start3A_50 : memref<80x128xf32, #tpu.memory_space<vmem>>) target(%dma_start3A_53 : memref<10000x128xf32, #tpu.memory_space<vmem_shared>>) offsets(%arg9 : memref<80xi32, #tpu.memory_space<vmem>>) semaphore(%run_scoped3A : memref<!tpu.dma_semaphore, #tpu.memory_space<semaphore_mem>>) {add = true}
        %dma_wait3A_54 = arith.constant 0 : i32
        %dma_wait3A_55 = arith.constant 0 : i32
        %dma_wait3A_56 = tpu.memref_slice %arg12[%dma_wait3A_54, %dma_wait3A_55] : memref<200x128xf32, #tpu.memory_space<vmem>> -> memref<80x128xf32, #tpu.memory_space<vmem>>
        %dma_wait3A_57 = arith.constant 0 : i32
        %dma_wait3A_58 = arith.constant 0 : i32
        %dma_wait3A_59 = tpu.memref_slice %arg13[%dma_wait3A_57, %dma_wait3A_58] : memref<10000x128xf32, #tpu.memory_space<vmem_shared>> -> memref<10000x128xf32, #tpu.memory_space<vmem_shared>>
        tpu.wait_indirect_dma semaphore(%run_scoped3A : memref<!tpu.dma_semaphore, #tpu.memory_space<semaphore_mem>>) src(%dma_wait3A_56 : memref<80x128xf32, #tpu.memory_space<vmem>>) dst(%dma_wait3A_59 : memref<10000x128xf32, #tpu.memory_space<vmem_shared>>)
        tpu.yield
      }) : () -> ()
    }
    %scan3A_21 = arith.constant 125 : i32
    %barrier3A_22 = arith.constant 0 : index
    tpu.barrier barrier_id(%barrier3A_22)
    %lt3A_23 = arith.constant 10 : i32
    %lt3A_24 = arith.cmpi slt, %arg1, %lt3A_23 : i32
    %convert_element_type3A_25 = arith.extui %lt3A_24 : i1 to i32
    %cond3A_26 = arith.constant 0 : i32
    %cond3A_27 = arith.cmpi ne, %convert_element_type3A_25, %cond3A_26 : i32
    scf.if %cond3A_27 {
      %mul3A_28 = arith.constant 1000 : i32
      %mul3A_29 = arith.muli %arg1, %mul3A_28 : i32
      %mul3A_30 = arith.constant 10000 : i32
      %mul3A_31 = arith.muli %arg0, %mul3A_30 : i32
      %add3A_32 = arith.addi %mul3A_31, %mul3A_29 : i32
      "tpu.region"() ({
        %run_scoped3A = tpu.sem_alloc : memref<!tpu.dma_semaphore, #tpu.memory_space<semaphore_mem>>
        %dma_start3A = arith.constant 0 : i32
        %dma_start3A_33 = tpu.memref_slice %arg7[%add3A_32, %dma_start3A] : memref<20000x128xf32, #tpu.memory_space<hbm>> -> memref<1000x128xf32, #tpu.memory_space<hbm>>
        %dma_start3A_34 = arith.constant 0 : i32
        %dma_start3A_35 = tpu.memref_slice %arg13[%mul3A_29, %dma_start3A_34] : memref<10000x128xf32, #tpu.memory_space<vmem_shared>> -> memref<1000x128xf32, #tpu.memory_space<vmem_shared>>
        tpu.enqueue_dma source(%dma_start3A_35 : memref<1000x128xf32, #tpu.memory_space<vmem_shared>>) target(%dma_start3A_33 : memref<1000x128xf32, #tpu.memory_space<hbm>>) target_semaphore(%run_scoped3A : memref<!tpu.dma_semaphore, #tpu.memory_space<semaphore_mem>>)
        %dma_wait3A = arith.constant 0 : i32
        %dma_wait3A_36 = tpu.memref_slice %arg7[%add3A_32, %dma_wait3A] : memref<20000x128xf32, #tpu.memory_space<hbm>> -> memref<1000x128xf32, #tpu.memory_space<hbm>>
        %dma_wait3A_37 = arith.constant 0 : i32
        %dma_wait3A_38 = tpu.memref_slice %arg13[%mul3A_29, %dma_wait3A_37] : memref<10000x128xf32, #tpu.memory_space<vmem_shared>> -> memref<1000x128xf32, #tpu.memory_space<vmem_shared>>
        tpu.wait_dma2 semaphore(%run_scoped3A : memref<!tpu.dma_semaphore, #tpu.memory_space<semaphore_mem>>) src(%dma_wait3A_38 : memref<1000x128xf32, #tpu.memory_space<vmem_shared>>) dst(%dma_wait3A_36 : memref<1000x128xf32, #tpu.memory_space<hbm>>)
        tpu.yield
      }) : () -> ()
    } else {
    }
    return
  }
}

#map = affine_map<(d0, d1) -> (0, 0)>
#map1 = affine_map<(d0, d1) -> (0)>
module attributes {stable_mosaic.version = 14 : i64} {
  func.func @k(%arg0: i32, %arg1: i32, %arg2: memref<320000x128xf32, #tpu.memory_space<hbm>>, %arg3: memref<320000xi32, #tpu.memory_space<hbm>>, %arg4: memref<20000x128xf32, #tpu.memory_space<hbm>>, %arg5: memref<80x128xf32, #tpu.memory_space<vmem>>, %arg6: memref<80xi32, #tpu.memory_space<vmem>>, %arg7: memref<200x128xf32, #tpu.memory_space<vmem>>, %arg8: memref<10000x128xf32, #tpu.memory_space<vmem_shared>>, %arg9: memref<!tpu.dma_semaphore, #tpu.memory_space<semaphore_mem>>) attributes {dimension_semantics = [#tpu.dimension_semantics<core_parallel>, #tpu.dimension_semantics<subcore_parallel>], iteration_bounds = array<i64: 2, 16>, scalar_prefetch = 0 : i64, scratch_operands = 5 : i64, tpu.core_type = #tpu.core_type<sc_vector_subcore>, window_params = [{transform_indices = #map}, {transform_indices = #map1}, {transform_indices = #map}]} {
    %scan3A = arith.constant 0 : i32
    %scan3A_0 = arith.constant 0 : i32
    %scan3A_1 = arith.constant 200 : i32
    %scan3A_2 = arith.addi %scan3A_0, %scan3A_1 : i32
    %scan3A_3 = arith.constant 1 : i32
    scf.for %scan3A_22 = %scan3A_0 to %scan3A_2 step %scan3A_3  : i32 {
      %broadcast_in_dim3A = arith.constant 0.000000e+00 : f32
      %broadcast_in_dim3A_23 = vector.broadcast %broadcast_in_dim3A : f32 to vector<16xf32>
      %swap3A = arith.index_cast %scan3A_22 : i32 to index
      %swap3A_24 = arith.constant 0 : index
      %swap3A_25 = tpu.vector_load %arg7[%swap3A, %swap3A_24] {strides = array<i32>} : memref<200x128xf32, #tpu.memory_space<vmem>>, vector<1x16xf32>,
      %swap3A_26 = vector.shape_cast %swap3A_25 : vector<1x16xf32> to vector<16xf32>
      %swap3A_27 = vector.shape_cast %broadcast_in_dim3A_23 : vector<16xf32> to vector<1x16xf32>
      tpu.vector_store %arg7[%swap3A, %swap3A_24], %swap3A_27 {strides = array<i32>} : memref<200x128xf32, #tpu.memory_space<vmem>>, vector<1x16xf32>,
      %broadcast_in_dim3A_28 = arith.constant 0.000000e+00 : f32
      %broadcast_in_dim3A_29 = vector.broadcast %broadcast_in_dim3A_28 : f32 to vector<16xf32>
      %swap3A_30 = arith.index_cast %scan3A_22 : i32 to index
      %swap3A_31 = arith.constant 16 : index
      %swap3A_32 = tpu.vector_load %arg7[%swap3A_30, %swap3A_31] {strides = array<i32>} : memref<200x128xf32, #tpu.memory_space<vmem>>, vector<1x16xf32>,
      %swap3A_33 = vector.shape_cast %swap3A_32 : vector<1x16xf32> to vector<16xf32>
      %swap3A_34 = vector.shape_cast %broadcast_in_dim3A_29 : vector<16xf32> to vector<1x16xf32>
      tpu.vector_store %arg7[%swap3A_30, %swap3A_31], %swap3A_34 {strides = array<i32>} : memref<200x128xf32, #tpu.memory_space<vmem>>, vector<1x16xf32>,
      %broadcast_in_dim3A_35 = arith.constant 0.000000e+00 : f32
      %broadcast_in_dim3A_36 = vector.broadcast %broadcast_in_dim3A_35 : f32 to vector<16xf32>
      %swap3A_37 = arith.index_cast %scan3A_22 : i32 to index
      %swap3A_38 = arith.constant 32 : index
      %swap3A_39 = tpu.vector_load %arg7[%swap3A_37, %swap3A_38] {strides = array<i32>} : memref<200x128xf32, #tpu.memory_space<vmem>>, vector<1x16xf32>,
      %swap3A_40 = vector.shape_cast %swap3A_39 : vector<1x16xf32> to vector<16xf32>
      %swap3A_41 = vector.shape_cast %broadcast_in_dim3A_36 : vector<16xf32> to vector<1x16xf32>
      tpu.vector_store %arg7[%swap3A_37, %swap3A_38], %swap3A_41 {strides = array<i32>} : memref<200x128xf32, #tpu.memory_space<vmem>>, vector<1x16xf32>,
      %broadcast_in_dim3A_42 = arith.constant 0.000000e+00 : f32
      %broadcast_in_dim3A_43 = vector.broadcast %broadcast_in_dim3A_42 : f32 to vector<16xf32>
      %swap3A_44 = arith.index_cast %scan3A_22 : i32 to index
      %swap3A_45 = arith.constant 48 : index
      %swap3A_46 = tpu.vector_load %arg7[%swap3A_44, %swap3A_45] {strides = array<i32>} : memref<200x128xf32, #tpu.memory_space<vmem>>, vector<1x16xf32>,
      %swap3A_47 = vector.shape_cast %swap3A_46 : vector<1x16xf32> to vector<16xf32>
      %swap3A_48 = vector.shape_cast %broadcast_in_dim3A_43 : vector<16xf32> to vector<1x16xf32>
      tpu.vector_store %arg7[%swap3A_44, %swap3A_45], %swap3A_48 {strides = array<i32>} : memref<200x128xf32, #tpu.memory_space<vmem>>, vector<1x16xf32>,
      %broadcast_in_dim3A_49 = arith.constant 0.000000e+00 : f32
      %broadcast_in_dim3A_50 = vector.broadcast %broadcast_in_dim3A_49 : f32 to vector<16xf32>
      %swap3A_51 = arith.index_cast %scan3A_22 : i32 to index
      %swap3A_52 = arith.constant 64 : index
      %swap3A_53 = tpu.vector_load %arg7[%swap3A_51, %swap3A_52] {strides = array<i32>} : memref<200x128xf32, #tpu.memory_space<vmem>>, vector<1x16xf32>,
      %swap3A_54 = vector.shape_cast %swap3A_53 : vector<1x16xf32> to vector<16xf32>
      %swap3A_55 = vector.shape_cast %broadcast_in_dim3A_50 : vector<16xf32> to vector<1x16xf32>
      tpu.vector_store %arg7[%swap3A_51, %swap3A_52], %swap3A_55 {strides = array<i32>} : memref<200x128xf32, #tpu.memory_space<vmem>>, vector<1x16xf32>,
      %broadcast_in_dim3A_56 = arith.constant 0.000000e+00 : f32
      %broadcast_in_dim3A_57 = vector.broadcast %broadcast_in_dim3A_56 : f32 to vector<16xf32>
      %swap3A_58 = arith.index_cast %scan3A_22 : i32 to index
      %swap3A_59 = arith.constant 80 : index
      %swap3A_60 = tpu.vector_load %arg7[%swap3A_58, %swap3A_59] {strides = array<i32>} : memref<200x128xf32, #tpu.memory_space<vmem>>, vector<1x16xf32>,
      %swap3A_61 = vector.shape_cast %swap3A_60 : vector<1x16xf32> to vector<16xf32>
      %swap3A_62 = vector.shape_cast %broadcast_in_dim3A_57 : vector<16xf32> to vector<1x16xf32>
      tpu.vector_store %arg7[%swap3A_58, %swap3A_59], %swap3A_62 {strides = array<i32>} : memref<200x128xf32, #tpu.memory_space<vmem>>, vector<1x16xf32>,
      %broadcast_in_dim3A_63 = arith.constant 0.000000e+00 : f32
      %broadcast_in_dim3A_64 = vector.broadcast %broadcast_in_dim3A_63 : f32 to vector<16xf32>
      %swap3A_65 = arith.index_cast %scan3A_22 : i32 to index
      %swap3A_66 = arith.constant 96 : index
      %swap3A_67 = tpu.vector_load %arg7[%swap3A_65, %swap3A_66] {strides = array<i32>} : memref<200x128xf32, #tpu.memory_space<vmem>>, vector<1x16xf32>,
      %swap3A_68 = vector.shape_cast %swap3A_67 : vector<1x16xf32> to vector<16xf32>
      %swap3A_69 = vector.shape_cast %broadcast_in_dim3A_64 : vector<16xf32> to vector<1x16xf32>
      tpu.vector_store %arg7[%swap3A_65, %swap3A_66], %swap3A_69 {strides = array<i32>} : memref<200x128xf32, #tpu.memory_space<vmem>>, vector<1x16xf32>,
      %broadcast_in_dim3A_70 = arith.constant 0.000000e+00 : f32
      %broadcast_in_dim3A_71 = vector.broadcast %broadcast_in_dim3A_70 : f32 to vector<16xf32>
      %swap3A_72 = arith.index_cast %scan3A_22 : i32 to index
      %swap3A_73 = arith.constant 112 : index
      %swap3A_74 = tpu.vector_load %arg7[%swap3A_72, %swap3A_73] {strides = array<i32>} : memref<200x128xf32, #tpu.memory_space<vmem>>, vector<1x16xf32>,
      %swap3A_75 = vector.shape_cast %swap3A_74 : vector<1x16xf32> to vector<16xf32>
      %swap3A_76 = vector.shape_cast %broadcast_in_dim3A_71 : vector<16xf32> to vector<1x16xf32>
      tpu.vector_store %arg7[%swap3A_72, %swap3A_73], %swap3A_76 {strides = array<i32>} : memref<200x128xf32, #tpu.memory_space<vmem>>, vector<1x16xf32>,
    }
    %scan3A_4 = arith.constant 200 : i32
    %lt3A = arith.constant 10 : i32
    %lt3A_5 = arith.cmpi slt, %arg1, %lt3A : i32
    %convert_element_type3A = arith.extui %lt3A_5 : i1 to i32
    %cond3A = arith.constant 0 : i32
    %cond3A_6 = arith.cmpi ne, %convert_element_type3A, %cond3A : i32
    scf.if %cond3A_6 {
      %mul3A_22 = arith.constant 1000 : i32
      %mul3A_23 = arith.muli %arg1, %mul3A_22 : i32
      %add3A_24 = arith.constant 0 : i32
      %add3A_25 = arith.addi %mul3A_23, %add3A_24 : i32
      "tpu.region"() ({
        %run_scoped3A = tpu.sem_alloc : memref<!tpu.dma_semaphore, #tpu.memory_space<semaphore_mem>>
        %dma_start3A = arith.constant 0 : i32
        %dma_start3A_34 = tpu.memref_slice %arg8[%add3A_25, %dma_start3A] : memref<10000x128xf32, #tpu.memory_space<vmem_shared>> -> memref<200x128xf32, #tpu.memory_space<vmem_shared>>
        %dma_start3A_35 = arith.constant 0 : i32
        %dma_start3A_36 = tpu.memref_slice %arg8[%add3A_25, %dma_start3A_35] : memref<10000x128xf32, #tpu.memory_space<vmem_shared>> -> memref<200x128xf32, #tpu.memory_space<vmem_shared>>
        tpu.enqueue_dma source(%arg7 : memref<200x128xf32, #tpu.memory_space<vmem>>) target(%dma_start3A_36 : memref<200x128xf32, #tpu.memory_space<vmem_shared>>) target_semaphore(%run_scoped3A : memref<!tpu.dma_semaphore, #tpu.memory_space<semaphore_mem>>)
        %dma_wait3A = arith.constant 0 : i32
        %dma_wait3A_37 = tpu.memref_slice %arg8[%add3A_25, %dma_wait3A] : memref<10000x128xf32, #tpu.memory_space<vmem_shared>> -> memref<200x128xf32, #tpu.memory_space<vmem_shared>>
        %dma_wait3A_38 = arith.constant 0 : i32
        %dma_wait3A_39 = tpu.memref_slice %arg8[%add3A_25, %dma_wait3A_38] : memref<10000x128xf32, #tpu.memory_space<vmem_shared>> -> memref<200x128xf32, #tpu.memory_space<vmem_shared>>
        tpu.wait_dma2 semaphore(%run_scoped3A : memref<!tpu.dma_semaphore, #tpu.memory_space<semaphore_mem>>) src(%arg7 : memref<200x128xf32, #tpu.memory_space<vmem>>) dst(%dma_wait3A_39 : memref<200x128xf32, #tpu.memory_space<vmem_shared>>)
        tpu.yield
      }) : () -> ()
      %add3A_26 = arith.constant 200 : i32
      %add3A_27 = arith.addi %mul3A_23, %add3A_26 : i32
      "tpu.region"() ({
        %run_scoped3A = tpu.sem_alloc : memref<!tpu.dma_semaphore, #tpu.memory_space<semaphore_mem>>
        %dma_start3A = arith.constant 0 : i32
        %dma_start3A_34 = tpu.memref_slice %arg8[%add3A_27, %dma_start3A] : memref<10000x128xf32, #tpu.memory_space<vmem_shared>> -> memref<200x128xf32, #tpu.memory_space<vmem_shared>>
        %dma_start3A_35 = arith.constant 0 : i32
        %dma_start3A_36 = tpu.memref_slice %arg8[%add3A_27, %dma_start3A_35] : memref<10000x128xf32, #tpu.memory_space<vmem_shared>> -> memref<200x128xf32, #tpu.memory_space<vmem_shared>>
        tpu.enqueue_dma source(%arg7 : memref<200x128xf32, #tpu.memory_space<vmem>>) target(%dma_start3A_36 : memref<200x128xf32, #tpu.memory_space<vmem_shared>>) target_semaphore(%run_scoped3A : memref<!tpu.dma_semaphore, #tpu.memory_space<semaphore_mem>>)
        %dma_wait3A = arith.constant 0 : i32
        %dma_wait3A_37 = tpu.memref_slice %arg8[%add3A_27, %dma_wait3A] : memref<10000x128xf32, #tpu.memory_space<vmem_shared>> -> memref<200x128xf32, #tpu.memory_space<vmem_shared>>
        %dma_wait3A_38 = arith.constant 0 : i32
        %dma_wait3A_39 = tpu.memref_slice %arg8[%add3A_27, %dma_wait3A_38] : memref<10000x128xf32, #tpu.memory_space<vmem_shared>> -> memref<200x128xf32, #tpu.memory_space<vmem_shared>>
        tpu.wait_dma2 semaphore(%run_scoped3A : memref<!tpu.dma_semaphore, #tpu.memory_space<semaphore_mem>>) src(%arg7 : memref<200x128xf32, #tpu.memory_space<vmem>>) dst(%dma_wait3A_39 : memref<200x128xf32, #tpu.memory_space<vmem_shared>>)
        tpu.yield
      }) : () -> ()
      %add3A_28 = arith.constant 400 : i32
      %add3A_29 = arith.addi %mul3A_23, %add3A_28 : i32
      "tpu.region"() ({
        %run_scoped3A = tpu.sem_alloc : memref<!tpu.dma_semaphore, #tpu.memory_space<semaphore_mem>>
        %dma_start3A = arith.constant 0 : i32
        %dma_start3A_34 = tpu.memref_slice %arg8[%add3A_29, %dma_start3A] : memref<10000x128xf32, #tpu.memory_space<vmem_shared>> -> memref<200x128xf32, #tpu.memory_space<vmem_shared>>
        %dma_start3A_35 = arith.constant 0 : i32
        %dma_start3A_36 = tpu.memref_slice %arg8[%add3A_29, %dma_start3A_35] : memref<10000x128xf32, #tpu.memory_space<vmem_shared>> -> memref<200x128xf32, #tpu.memory_space<vmem_shared>>
        tpu.enqueue_dma source(%arg7 : memref<200x128xf32, #tpu.memory_space<vmem>>) target(%dma_start3A_36 : memref<200x128xf32, #tpu.memory_space<vmem_shared>>) target_semaphore(%run_scoped3A : memref<!tpu.dma_semaphore, #tpu.memory_space<semaphore_mem>>)
        %dma_wait3A = arith.constant 0 : i32
        %dma_wait3A_37 = tpu.memref_slice %arg8[%add3A_29, %dma_wait3A] : memref<10000x128xf32, #tpu.memory_space<vmem_shared>> -> memref<200x128xf32, #tpu.memory_space<vmem_shared>>
        %dma_wait3A_38 = arith.constant 0 : i32
        %dma_wait3A_39 = tpu.memref_slice %arg8[%add3A_29, %dma_wait3A_38] : memref<10000x128xf32, #tpu.memory_space<vmem_shared>> -> memref<200x128xf32, #tpu.memory_space<vmem_shared>>
        tpu.wait_dma2 semaphore(%run_scoped3A : memref<!tpu.dma_semaphore, #tpu.memory_space<semaphore_mem>>) src(%arg7 : memref<200x128xf32, #tpu.memory_space<vmem>>) dst(%dma_wait3A_39 : memref<200x128xf32, #tpu.memory_space<vmem_shared>>)
        tpu.yield
      }) : () -> ()
      %add3A_30 = arith.constant 600 : i32
      %add3A_31 = arith.addi %mul3A_23, %add3A_30 : i32
      "tpu.region"() ({
        %run_scoped3A = tpu.sem_alloc : memref<!tpu.dma_semaphore, #tpu.memory_space<semaphore_mem>>
        %dma_start3A = arith.constant 0 : i32
        %dma_start3A_34 = tpu.memref_slice %arg8[%add3A_31, %dma_start3A] : memref<10000x128xf32, #tpu.memory_space<vmem_shared>> -> memref<200x128xf32, #tpu.memory_space<vmem_shared>>
        %dma_start3A_35 = arith.constant 0 : i32
        %dma_start3A_36 = tpu.memref_slice %arg8[%add3A_31, %dma_start3A_35] : memref<10000x128xf32, #tpu.memory_space<vmem_shared>> -> memref<200x128xf32, #tpu.memory_space<vmem_shared>>
        tpu.enqueue_dma source(%arg7 : memref<200x128xf32, #tpu.memory_space<vmem>>) target(%dma_start3A_36 : memref<200x128xf32, #tpu.memory_space<vmem_shared>>) target_semaphore(%run_scoped3A : memref<!tpu.dma_semaphore, #tpu.memory_space<semaphore_mem>>)
        %dma_wait3A = arith.constant 0 : i32
        %dma_wait3A_37 = tpu.memref_slice %arg8[%add3A_31, %dma_wait3A] : memref<10000x128xf32, #tpu.memory_space<vmem_shared>> -> memref<200x128xf32, #tpu.memory_space<vmem_shared>>
        %dma_wait3A_38 = arith.constant 0 : i32
        %dma_wait3A_39 = tpu.memref_slice %arg8[%add3A_31, %dma_wait3A_38] : memref<10000x128xf32, #tpu.memory_space<vmem_shared>> -> memref<200x128xf32, #tpu.memory_space<vmem_shared>>
        tpu.wait_dma2 semaphore(%run_scoped3A : memref<!tpu.dma_semaphore, #tpu.memory_space<semaphore_mem>>) src(%arg7 : memref<200x128xf32, #tpu.memory_space<vmem>>) dst(%dma_wait3A_39 : memref<200x128xf32, #tpu.memory_space<vmem_shared>>)
        tpu.yield
      }) : () -> ()
      %add3A_32 = arith.constant 800 : i32
      %add3A_33 = arith.addi %mul3A_23, %add3A_32 : i32
      "tpu.region"() ({
        %run_scoped3A = tpu.sem_alloc : memref<!tpu.dma_semaphore, #tpu.memory_space<semaphore_mem>>
        %dma_start3A = arith.constant 0 : i32
        %dma_start3A_34 = tpu.memref_slice %arg8[%add3A_33, %dma_start3A] : memref<10000x128xf32, #tpu.memory_space<vmem_shared>> -> memref<200x128xf32, #tpu.memory_space<vmem_shared>>
        %dma_start3A_35 = arith.constant 0 : i32
        %dma_start3A_36 = tpu.memref_slice %arg8[%add3A_33, %dma_start3A_35] : memref<10000x128xf32, #tpu.memory_space<vmem_shared>> -> memref<200x128xf32, #tpu.memory_space<vmem_shared>>
        tpu.enqueue_dma source(%arg7 : memref<200x128xf32, #tpu.memory_space<vmem>>) target(%dma_start3A_36 : memref<200x128xf32, #tpu.memory_space<vmem_shared>>) target_semaphore(%run_scoped3A : memref<!tpu.dma_semaphore, #tpu.memory_space<semaphore_mem>>)
        %dma_wait3A = arith.constant 0 : i32
        %dma_wait3A_37 = tpu.memref_slice %arg8[%add3A_33, %dma_wait3A] : memref<10000x128xf32, #tpu.memory_space<vmem_shared>> -> memref<200x128xf32, #tpu.memory_space<vmem_shared>>
        %dma_wait3A_38 = arith.constant 0 : i32
        %dma_wait3A_39 = tpu.memref_slice %arg8[%add3A_33, %dma_wait3A_38] : memref<10000x128xf32, #tpu.memory_space<vmem_shared>> -> memref<200x128xf32, #tpu.memory_space<vmem_shared>>
        tpu.wait_dma2 semaphore(%run_scoped3A : memref<!tpu.dma_semaphore, #tpu.memory_space<semaphore_mem>>) src(%arg7 : memref<200x128xf32, #tpu.memory_space<vmem>>) dst(%dma_wait3A_39 : memref<200x128xf32, #tpu.memory_space<vmem_shared>>)
        tpu.yield
      }) : () -> ()
    } else {
    }
    %barrier3A = arith.constant 0 : index
    tpu.barrier barrier_id(%barrier3A)
    %mul3A = arith.constant 160000 : i32
    %mul3A_7 = arith.muli %arg0, %mul3A : i32
    %mul3A_8 = arith.constant 10000 : i32
    %mul3A_9 = arith.muli %arg1, %mul3A_8 : i32
    %add3A = arith.addi %mul3A_7, %mul3A_9 : i32
    %scan3A_10 = arith.constant 0 : i32
    %scan3A_11 = arith.constant 0 : i32
    %scan3A_12 = arith.constant 125 : i32
    %scan3A_13 = arith.addi %scan3A_11, %scan3A_12 : i32
    %scan3A_14 = arith.constant 1 : i32
    scf.for %scan3A_22 = %scan3A_11 to %scan3A_13 step %scan3A_14  : i32 {
      %mul3A_23 = arith.constant 80 : i32
      %mul3A_24 = arith.muli %scan3A_22, %mul3A_23 : i32
      %add3A_25 = arith.addi %add3A, %mul3A_24 : i32
      "tpu.region"() ({
        %run_scoped3A = tpu.sem_alloc : memref<!tpu.dma_semaphore, #tpu.memory_space<semaphore_mem>>
        %dma_start3A_32 = tpu.memref_slice %arg3[%add3A_25] : memref<320000xi32, #tpu.memory_space<hbm>> -> memref<80xi32, #tpu.memory_space<hbm>>
        %dma_start3A_33 = tpu.memref_slice %arg3[%add3A_25] : memref<320000xi32, #tpu.memory_space<hbm>> -> memref<80xi32, #tpu.memory_space<hbm>>
        tpu.enqueue_dma source(%dma_start3A_33 : memref<80xi32, #tpu.memory_space<hbm>>) target(%arg6 : memref<80xi32, #tpu.memory_space<vmem>>) target_semaphore(%run_scoped3A : memref<!tpu.dma_semaphore, #tpu.memory_space<semaphore_mem>>)
        %dma_wait3A_34 = tpu.memref_slice %arg3[%add3A_25] : memref<320000xi32, #tpu.memory_space<hbm>> -> memref<80xi32, #tpu.memory_space<hbm>>
        %dma_wait3A_35 = tpu.memref_slice %arg3[%add3A_25] : memref<320000xi32, #tpu.memory_space<hbm>> -> memref<80xi32, #tpu.memory_space<hbm>>
        tpu.wait_dma2 semaphore(%run_scoped3A : memref<!tpu.dma_semaphore, #tpu.memory_space<semaphore_mem>>) src(%dma_wait3A_35 : memref<80xi32, #tpu.memory_space<hbm>>) dst(%arg6 : memref<80xi32, #tpu.memory_space<vmem>>)
        tpu.yield
      }) : () -> ()
      %dma_start3A = arith.constant 0 : i32
      %dma_start3A_26 = tpu.memref_slice %arg2[%add3A_25, %dma_start3A] : memref<320000x128xf32, #tpu.memory_space<hbm>> -> memref<80x128xf32, #tpu.memory_space<hbm>>
      %dma_start3A_27 = arith.constant 0 : i32
      %dma_start3A_28 = tpu.memref_slice %arg2[%add3A_25, %dma_start3A_27] : memref<320000x128xf32, #tpu.memory_space<hbm>> -> memref<80x128xf32, #tpu.memory_space<hbm>>
      tpu.enqueue_dma source(%dma_start3A_28 : memref<80x128xf32, #tpu.memory_space<hbm>>) target(%arg5 : memref<80x128xf32, #tpu.memory_space<vmem>>) target_semaphore(%arg9 : memref<!tpu.dma_semaphore, #tpu.memory_space<semaphore_mem>>)
      %dma_wait3A = arith.constant 0 : i32
      %dma_wait3A_29 = tpu.memref_slice %arg2[%add3A_25, %dma_wait3A] : memref<320000x128xf32, #tpu.memory_space<hbm>> -> memref<80x128xf32, #tpu.memory_space<hbm>>
      %dma_wait3A_30 = arith.constant 0 : i32
      %dma_wait3A_31 = tpu.memref_slice %arg2[%add3A_25, %dma_wait3A_30] : memref<320000x128xf32, #tpu.memory_space<hbm>> -> memref<80x128xf32, #tpu.memory_space<hbm>>
      tpu.wait_dma2 semaphore(%arg9 : memref<!tpu.dma_semaphore, #tpu.memory_space<semaphore_mem>>) src(%dma_wait3A_31 : memref<80x128xf32, #tpu.memory_space<hbm>>) dst(%arg5 : memref<80x128xf32, #tpu.memory_space<vmem>>)
      "tpu.region"() ({
        %run_scoped3A = tpu.sem_alloc : memref<!tpu.dma_semaphore, #tpu.memory_space<semaphore_mem>>
        %dma_start3A_32 = arith.constant 0 : i32
        %dma_start3A_33 = arith.constant 0 : i32
        %dma_start3A_34 = tpu.memref_slice %arg8[%dma_start3A_32, %dma_start3A_33] : memref<10000x128xf32, #tpu.memory_space<vmem_shared>> -> memref<10000x128xf32, #tpu.memory_space<vmem_shared>>
        tpu.enqueue_indirect_dma source(%arg5 : memref<80x128xf32, #tpu.memory_space<vmem>>) target(%dma_start3A_34 : memref<10000x128xf32, #tpu.memory_space<vmem_shared>>) offsets(%arg6 : memref<80xi32, #tpu.memory_space<vmem>>) semaphore(%run_scoped3A : memref<!tpu.dma_semaphore, #tpu.memory_space<semaphore_mem>>) {add = true}
        %dma_wait3A_35 = arith.constant 0 : i32
        %dma_wait3A_36 = arith.constant 0 : i32
        %dma_wait3A_37 = tpu.memref_slice %arg8[%dma_wait3A_35, %dma_wait3A_36] : memref<10000x128xf32, #tpu.memory_space<vmem_shared>> -> memref<10000x128xf32, #tpu.memory_space<vmem_shared>>
        tpu.wait_indirect_dma semaphore(%run_scoped3A : memref<!tpu.dma_semaphore, #tpu.memory_space<semaphore_mem>>) src(%arg5 : memref<80x128xf32, #tpu.memory_space<vmem>>) dst(%dma_wait3A_37 : memref<10000x128xf32, #tpu.memory_space<vmem_shared>>)
        tpu.yield
      }) : () -> ()
    }
    %scan3A_15 = arith.constant 125 : i32
    %barrier3A_16 = arith.constant 0 : index
    tpu.barrier barrier_id(%barrier3A_16)
    %lt3A_17 = arith.constant 10 : i32
    %lt3A_18 = arith.cmpi slt, %arg1, %lt3A_17 : i32
    %convert_element_type3A_19 = arith.extui %lt3A_18 : i1 to i32
    %cond3A_20 = arith.constant 0 : i32
    %cond3A_21 = arith.cmpi ne, %convert_element_type3A_19, %cond3A_20 : i32
    scf.if %cond3A_21 {
      %mul3A_22 = arith.constant 1000 : i32
      %mul3A_23 = arith.muli %arg1, %mul3A_22 : i32
      %mul3A_24 = arith.constant 10000 : i32
      %mul3A_25 = arith.muli %arg0, %mul3A_24 : i32
      %add3A_26 = arith.addi %mul3A_25, %mul3A_23 : i32
      "tpu.region"() ({
        %run_scoped3A = tpu.sem_alloc : memref<!tpu.dma_semaphore, #tpu.memory_space<semaphore_mem>>
        %dma_start3A = arith.constant 0 : i32
        %dma_start3A_27 = tpu.memref_slice %arg4[%add3A_26, %dma_start3A] : memref<20000x128xf32, #tpu.memory_space<hbm>> -> memref<1000x128xf32, #tpu.memory_space<hbm>>
        %dma_start3A_28 = arith.constant 0 : i32
        %dma_start3A_29 = tpu.memref_slice %arg8[%mul3A_23, %dma_start3A_28] : memref<10000x128xf32, #tpu.memory_space<vmem_shared>> -> memref<1000x128xf32, #tpu.memory_space<vmem_shared>>
        tpu.enqueue_dma source(%dma_start3A_29 : memref<1000x128xf32, #tpu.memory_space<vmem_shared>>) target(%dma_start3A_27 : memref<1000x128xf32, #tpu.memory_space<hbm>>) target_semaphore(%run_scoped3A : memref<!tpu.dma_semaphore, #tpu.memory_space<semaphore_mem>>)
        %dma_wait3A = arith.constant 0 : i32
        %dma_wait3A_30 = tpu.memref_slice %arg4[%add3A_26, %dma_wait3A] : memref<20000x128xf32, #tpu.memory_space<hbm>> -> memref<1000x128xf32, #tpu.memory_space<hbm>>
        %dma_wait3A_31 = arith.constant 0 : i32
        %dma_wait3A_32 = tpu.memref_slice %arg8[%mul3A_23, %dma_wait3A_31] : memref<10000x128xf32, #tpu.memory_space<vmem_shared>> -> memref<1000x128xf32, #tpu.memory_space<vmem_shared>>
        tpu.wait_dma2 semaphore(%run_scoped3A : memref<!tpu.dma_semaphore, #tpu.memory_space<semaphore_mem>>) src(%dma_wait3A_32 : memref<1000x128xf32, #tpu.memory_space<vmem_shared>>) dst(%dma_wait3A_30 : memref<1000x128xf32, #tpu.memory_space<hbm>>)
        tpu.yield
      }) : () -> ()
    } else {
    }
    return
  }
}

module attributes {stable_mosaic.version = 14 : i64} {
  func.func @body(%arg0: i32, %arg1: memref<2000x128xf32, #tpu.memory_space<vmem>>, %arg2: memref<2000x128xf32, #tpu.memory_space<vmem>>, %arg3: memref<128x128xf32, #tpu.memory_space<vmem>>, %arg4: memref<128x128xf32, #tpu.memory_space<vmem>>, %arg5: memref<1x128xf32, #tpu.memory_space<vmem>>, %arg6: memref<1x128xf32, #tpu.memory_space<vmem>>, %arg7: memref<2000x128xf32, #tpu.memory_space<vmem>>, %arg8: memref<2000x128xf32, #tpu.memory_space<vmem>>) attributes {dimension_semantics = [#tpu.dimension_semantics<arbitrary>], iteration_bounds = array<i64: 160>, scalar_prefetch = 0 : i64, scratch_operands = 0 : i64, tpu.core_type = #tpu.core_type<tc>, window_params = [{transform_indices = @transform_0, window_bounds = array<i64: 2000, 128>}, {transform_indices = @transform_1, window_bounds = array<i64: 2000, 128>}, {pipeline_mode = #tpu.pipeline_mode<synchronous>, transform_indices = @transform_2, window_bounds = array<i64: 128, 128>}, {pipeline_mode = #tpu.pipeline_mode<synchronous>, transform_indices = @transform_3, window_bounds = array<i64: 128, 128>}, {pipeline_mode = #tpu.pipeline_mode<synchronous>, transform_indices = @transform_4, window_bounds = array<i64: 1, 128>}, {pipeline_mode = #tpu.pipeline_mode<synchronous>, transform_indices = @transform_5, window_bounds = array<i64: 1, 128>}, {transform_indices = @transform_6, window_bounds = array<i64: 2000, 128>}, {transform_indices = @transform_7, window_bounds = array<i64: 2000, 128>}]} {
    %get3A = arith.constant 0 : index
    %get3A_0 = arith.constant 0 : index
    %get3A_1 = vector.load %arg1[%get3A, %get3A_0] : memref<2000x128xf32, #tpu.memory_space<vmem>>, vector<2000x128xf32>
    %get3A_2 = arith.constant 0 : index
    %get3A_3 = arith.constant 0 : index
    %get3A_4 = vector.load %arg3[%get3A_2, %get3A_3] : memref<128x128xf32, #tpu.memory_space<vmem>>, vector<128x128xf32>
    %dot_general3A = arith.constant dense<0.000000e+00> : vector<2000x128xf32>
    %dot_general3A_5 = tpu.matmul %get3A_1, %get3A_4, %dot_general3A {dimension_numbers = #tpu.dot_dimension_numbers<[1], [0], [0], [1], [0, 0, 1, 1], [], []>, transpose_lhs_hint = false} : vector<2000x128xf32>, vector<128x128xf32>, vector<2000x128xf32> -> vector<2000x128xf32>
    %get3A_6 = arith.constant 0 : index
    %get3A_7 = arith.constant 0 : index
    %get3A_8 = vector.load %arg2[%get3A_6, %get3A_7] : memref<2000x128xf32, #tpu.memory_space<vmem>>, vector<2000x128xf32>
    %get3A_9 = arith.constant 0 : index
    %get3A_10 = arith.constant 0 : index
    %get3A_11 = vector.load %arg4[%get3A_9, %get3A_10] : memref<128x128xf32, #tpu.memory_space<vmem>>, vector<128x128xf32>
    %dot_general3A_12 = arith.constant dense<0.000000e+00> : vector<2000x128xf32>
    %dot_general3A_13 = tpu.matmul %get3A_8, %get3A_11, %dot_general3A_12 {dimension_numbers = #tpu.dot_dimension_numbers<[1], [0], [0], [1], [0, 0, 1, 1], [], []>, transpose_lhs_hint = false} : vector<2000x128xf32>, vector<128x128xf32>, vector<2000x128xf32> -> vector<2000x128xf32>
    %add3A = arith.addf %dot_general3A_5, %dot_general3A_13 : vector<2000x128xf32>
    %logistic3A = arith.negf %add3A : vector<2000x128xf32>
    %logistic3A_14 = math.exp %logistic3A : vector<2000x128xf32>
    %logistic3A_15 = arith.constant 1.000000e+00 : f32
    %logistic3A_16 = vector.broadcast %logistic3A_15 : f32 to vector<2000x128xf32>
    %logistic3A_17 = arith.addf %logistic3A_16, %logistic3A_14 : vector<2000x128xf32>
    %logistic3A_18 = arith.divf %logistic3A_16, %logistic3A_17 : vector<2000x128xf32>
    %mul3A = arith.mulf %add3A, %logistic3A_18 : vector<2000x128xf32>
    %reduce_sum3A = arith.constant dense<0.000000e+00> : vector<2000xf32>
    %reduce_sum3A_19 = vector.multi_reduction <add>, %mul3A, %reduce_sum3A [1] : vector<2000x128xf32> to vector<2000xf32>
    %broadcast_in_dim3A = vector.shape_cast %reduce_sum3A_19 : vector<2000xf32> to vector<2000x1xf32>
    %div3A = arith.constant 1.280000e+02 : f32
    %div3A_20 = vector.broadcast %div3A : f32 to vector<2000x1xf32>
    %div3A_21 = arith.divf %broadcast_in_dim3A, %div3A_20 : vector<2000x1xf32>
    %sub3A = vector.broadcast %div3A_21 : vector<2000x1xf32> to vector<2000x128xf32>
    %sub3A_22 = arith.subf %mul3A, %sub3A : vector<2000x128xf32>
    %sub3A_23 = vector.broadcast %div3A_21 : vector<2000x1xf32> to vector<2000x128xf32>
    %sub3A_24 = arith.subf %mul3A, %sub3A_23 : vector<2000x128xf32>
    %mul3A_25 = arith.mulf %sub3A_22, %sub3A_24 : vector<2000x128xf32>
    %reduce_sum3A_26 = arith.constant dense<0.000000e+00> : vector<2000xf32>
    %reduce_sum3A_27 = vector.multi_reduction <add>, %mul3A_25, %reduce_sum3A_26 [1] : vector<2000x128xf32> to vector<2000xf32>
    %broadcast_in_dim3A_28 = vector.shape_cast %reduce_sum3A_27 : vector<2000xf32> to vector<2000x1xf32>
    %div3A_29 = arith.constant 1.280000e+02 : f32
    %div3A_30 = vector.broadcast %div3A_29 : f32 to vector<2000x1xf32>
    %div3A_31 = arith.divf %broadcast_in_dim3A_28, %div3A_30 : vector<2000x1xf32>
    %sub3A_32 = vector.broadcast %div3A_21 : vector<2000x1xf32> to vector<2000x128xf32>
    %sub3A_33 = arith.subf %mul3A, %sub3A_32 : vector<2000x128xf32>
    %add3A_34 = arith.constant 9.99999974E-6 : f32
    %add3A_35 = vector.broadcast %add3A_34 : f32 to vector<2000x1xf32>
    %add3A_36 = arith.addf %div3A_31, %add3A_35 : vector<2000x1xf32>
    %sqrt3A = math.sqrt %add3A_36 : vector<2000x1xf32>
    %div3A_37 = vector.broadcast %sqrt3A : vector<2000x1xf32> to vector<2000x128xf32>
    %div3A_38 = arith.divf %sub3A_33, %div3A_37 : vector<2000x128xf32>
    %get3A_39 = arith.constant 0 : index
    %get3A_40 = arith.constant 0 : index
    %get3A_41 = vector.load %arg5[%get3A_39, %get3A_40] : memref<1x128xf32, #tpu.memory_space<vmem>>, vector<1x128xf32>
    %mul3A_42 = vector.broadcast %get3A_41 : vector<1x128xf32> to vector<2000x128xf32>
    %mul3A_43 = arith.mulf %div3A_38, %mul3A_42 : vector<2000x128xf32>
    %get3A_44 = arith.constant 0 : index
    %get3A_45 = arith.constant 0 : index
    %get3A_46 = vector.load %arg6[%get3A_44, %get3A_45] : memref<1x128xf32, #tpu.memory_space<vmem>>, vector<1x128xf32>
    %add3A_47 = vector.broadcast %get3A_46 : vector<1x128xf32> to vector<2000x128xf32>
    %add3A_48 = arith.addf %mul3A_43, %add3A_47 : vector<2000x128xf32>
    %swap3A = arith.constant 0 : index
    %swap3A_49 = arith.constant 0 : index
    %swap3A_50 = vector.load %arg7[%swap3A, %swap3A_49] : memref<2000x128xf32, #tpu.memory_space<vmem>>, vector<2000x128xf32>
    tpu.vector_store %arg7[%swap3A, %swap3A_49], %add3A_48 {strides = array<i32>} : memref<2000x128xf32, #tpu.memory_space<vmem>>, vector<2000x128xf32>,
    %get3A_51 = arith.constant 0 : index
    %get3A_52 = arith.constant 0 : index
    %get3A_53 = vector.load %arg2[%get3A_51, %get3A_52] : memref<2000x128xf32, #tpu.memory_space<vmem>>, vector<2000x128xf32>
    %add3A_54 = arith.addf %get3A_53, %add3A_48 : vector<2000x128xf32>
    %swap3A_55 = arith.constant 0 : index
    %swap3A_56 = arith.constant 0 : index
    %swap3A_57 = vector.load %arg8[%swap3A_55, %swap3A_56] : memref<2000x128xf32, #tpu.memory_space<vmem>>, vector<2000x128xf32>
    tpu.vector_store %arg8[%swap3A_55, %swap3A_56], %add3A_54 {strides = array<i32>} : memref<2000x128xf32, #tpu.memory_space<vmem>>, vector<2000x128xf32>,
    return
  }
  func.func @transform_0(%arg0: i32) -> (i32, i32) {
    %c0_i32 = arith.constant 0 : i32
    %c0_i32_0 = arith.constant 0 : i32
    return %arg0, %c0_i32 : i32, i32
  }
  func.func @transform_1(%arg0: i32) -> (i32, i32) {
    %c0_i32 = arith.constant 0 : i32
    %c0_i32_0 = arith.constant 0 : i32
    return %arg0, %c0_i32 : i32, i32
  }
  func.func @transform_2(%arg0: i32) -> (i32, i32) {
    %c0_i32 = arith.constant 0 : i32
    %c0_i32_0 = arith.constant 0 : i32
    %c0_i32_1 = arith.constant 0 : i32
    return %c0_i32, %c0_i32_0 : i32, i32
  }
  func.func @transform_3(%arg0: i32) -> (i32, i32) {
    %c0_i32 = arith.constant 0 : i32
    %c0_i32_0 = arith.constant 0 : i32
    %c0_i32_1 = arith.constant 0 : i32
    return %c0_i32, %c0_i32_0 : i32, i32
  }
  func.func @transform_4(%arg0: i32) -> (i32, i32) {
    %c0_i32 = arith.constant 0 : i32
    %c0_i32_0 = arith.constant 0 : i32
    %c0_i32_1 = arith.constant 0 : i32
    return %c0_i32, %c0_i32_0 : i32, i32
  }
  func.func @transform_5(%arg0: i32) -> (i32, i32) {
    %c0_i32 = arith.constant 0 : i32
    %c0_i32_0 = arith.constant 0 : i32
    %c0_i32_1 = arith.constant 0 : i32
    return %c0_i32, %c0_i32_0 : i32, i32
  }
  func.func @transform_6(%arg0: i32) -> (i32, i32) {
    %c0_i32 = arith.constant 0 : i32
    %c0_i32_0 = arith.constant 0 : i32
    return %arg0, %c0_i32 : i32, i32
  }
  func.func @transform_7(%arg0: i32) -> (i32, i32) {
    %c0_i32 = arith.constant 0 : i32
    %c0_i32_0 = arith.constant 0 : i32
    return %arg0, %c0_i32 : i32, i32
  }
}

module attributes {stable_mosaic.version = 14 : i64} {
  func.func @body(%arg0: i32, %arg1: memref<2000x128xf32, #tpu.memory_space<vmem>>, %arg2: memref<2000x128xf32, #tpu.memory_space<vmem>>, %arg3: memref<2000x128xf32, #tpu.memory_space<vmem>>, %arg4: memref<2000x128xf32, #tpu.memory_space<vmem>>, %arg5: memref<2000x128xf32, #tpu.memory_space<vmem>>, %arg6: memref<128x128xf32, #tpu.memory_space<vmem>>, %arg7: memref<128x128xf32, #tpu.memory_space<vmem>>, %arg8: memref<1x128xf32, #tpu.memory_space<vmem>>, %arg9: memref<1x128xf32, #tpu.memory_space<vmem>>, %arg10: memref<2000x128xf32, #tpu.memory_space<vmem>>) attributes {dimension_semantics = [#tpu.dimension_semantics<arbitrary>], iteration_bounds = array<i64: 5>, scalar_prefetch = 0 : i64, scratch_operands = 0 : i64, tpu.core_type = #tpu.core_type<tc>, window_params = [{transform_indices = @transform_0, window_bounds = array<i64: 2000, 128>}, {transform_indices = @transform_1, window_bounds = array<i64: 2000, 128>}, {transform_indices = @transform_2, window_bounds = array<i64: 2000, 128>}, {transform_indices = @transform_3, window_bounds = array<i64: 2000, 128>}, {transform_indices = @transform_4, window_bounds = array<i64: 2000, 128>}, {pipeline_mode = #tpu.pipeline_mode<synchronous>, transform_indices = @transform_5, window_bounds = array<i64: 128, 128>}, {pipeline_mode = #tpu.pipeline_mode<synchronous>, transform_indices = @transform_6, window_bounds = array<i64: 128, 128>}, {pipeline_mode = #tpu.pipeline_mode<synchronous>, transform_indices = @transform_7, window_bounds = array<i64: 1, 128>}, {pipeline_mode = #tpu.pipeline_mode<synchronous>, transform_indices = @transform_8, window_bounds = array<i64: 1, 128>}, {transform_indices = @transform_9, window_bounds = array<i64: 2000, 128>}]} {
    %get3A = arith.constant 0 : index
    %get3A_0 = arith.constant 0 : index
    %get3A_1 = vector.load %arg1[%get3A, %get3A_0] : memref<2000x128xf32, #tpu.memory_space<vmem>>, vector<2000x128xf32>
    %get3A_2 = arith.constant 0 : index
    %get3A_3 = arith.constant 0 : index
    %get3A_4 = vector.load %arg2[%get3A_2, %get3A_3] : memref<2000x128xf32, #tpu.memory_space<vmem>>, vector<2000x128xf32>
    %add3A = arith.addf %get3A_1, %get3A_4 : vector<2000x128xf32>
    %get3A_5 = arith.constant 0 : index
    %get3A_6 = arith.constant 0 : index
    %get3A_7 = vector.load %arg3[%get3A_5, %get3A_6] : memref<2000x128xf32, #tpu.memory_space<vmem>>, vector<2000x128xf32>
    %slice3A = vector.extract_strided_slice %get3A_7 {offsets = [0, 0], sizes = [2000, 1], strides = [1, 1]} : vector<2000x128xf32> to vector<2000x1xf32>
    %get3A_8 = arith.constant 0 : index
    %get3A_9 = arith.constant 0 : index
    %get3A_10 = vector.load %arg4[%get3A_8, %get3A_9] : memref<2000x128xf32, #tpu.memory_space<vmem>>, vector<2000x128xf32>
    %slice3A_11 = vector.extract_strided_slice %get3A_10 {offsets = [0, 0], sizes = [2000, 1], strides = [1, 1]} : vector<2000x128xf32> to vector<2000x1xf32>
    %add3A_12 = arith.addf %slice3A, %slice3A_11 : vector<2000x1xf32>
    %max3A = arith.constant 1.000000e+00 : f32
    %max3A_13 = vector.broadcast %max3A : f32 to vector<2000x1xf32>
    %max3A_14 = arith.maximumf %add3A_12, %max3A_13 : vector<2000x1xf32>
    %div3A = vector.broadcast %max3A_14 : vector<2000x1xf32> to vector<2000x128xf32>
    %div3A_15 = arith.divf %add3A, %div3A : vector<2000x128xf32>
    %get3A_16 = arith.constant 0 : index
    %get3A_17 = arith.constant 0 : index
    %get3A_18 = vector.load %arg6[%get3A_16, %get3A_17] : memref<128x128xf32, #tpu.memory_space<vmem>>, vector<128x128xf32>
    %dot_general3A = arith.constant dense<0.000000e+00> : vector<2000x128xf32>
    %dot_general3A_19 = tpu.matmul %div3A_15, %get3A_18, %dot_general3A {dimension_numbers = #tpu.dot_dimension_numbers<[1], [0], [0], [1], [0, 0, 1, 1], [], []>, transpose_lhs_hint = false} : vector<2000x128xf32>, vector<128x128xf32>, vector<2000x128xf32> -> vector<2000x128xf32>
    %get3A_20 = arith.constant 0 : index
    %get3A_21 = arith.constant 0 : index
    %get3A_22 = vector.load %arg5[%get3A_20, %get3A_21] : memref<2000x128xf32, #tpu.memory_space<vmem>>, vector<2000x128xf32>
    %get3A_23 = arith.constant 0 : index
    %get3A_24 = arith.constant 0 : index
    %get3A_25 = vector.load %arg7[%get3A_23, %get3A_24] : memref<128x128xf32, #tpu.memory_space<vmem>>, vector<128x128xf32>
    %dot_general3A_26 = arith.constant dense<0.000000e+00> : vector<2000x128xf32>
    %dot_general3A_27 = tpu.matmul %get3A_22, %get3A_25, %dot_general3A_26 {dimension_numbers = #tpu.dot_dimension_numbers<[1], [0], [0], [1], [0, 0, 1, 1], [], []>, transpose_lhs_hint = false} : vector<2000x128xf32>, vector<128x128xf32>, vector<2000x128xf32> -> vector<2000x128xf32>
    %add3A_28 = arith.addf %dot_general3A_19, %dot_general3A_27 : vector<2000x128xf32>
    %logistic3A = arith.negf %add3A_28 : vector<2000x128xf32>
    %logistic3A_29 = math.exp %logistic3A : vector<2000x128xf32>
    %logistic3A_30 = arith.constant 1.000000e+00 : f32
    %logistic3A_31 = vector.broadcast %logistic3A_30 : f32 to vector<2000x128xf32>
    %logistic3A_32 = arith.addf %logistic3A_31, %logistic3A_29 : vector<2000x128xf32>
    %logistic3A_33 = arith.divf %logistic3A_31, %logistic3A_32 : vector<2000x128xf32>
    %mul3A = arith.mulf %add3A_28, %logistic3A_33 : vector<2000x128xf32>
    %reduce_sum3A = arith.constant dense<0.000000e+00> : vector<2000xf32>
    %reduce_sum3A_34 = vector.multi_reduction <add>, %mul3A, %reduce_sum3A [1] : vector<2000x128xf32> to vector<2000xf32>
    %broadcast_in_dim3A = vector.shape_cast %reduce_sum3A_34 : vector<2000xf32> to vector<2000x1xf32>
    %div3A_35 = arith.constant 1.280000e+02 : f32
    %div3A_36 = vector.broadcast %div3A_35 : f32 to vector<2000x1xf32>
    %div3A_37 = arith.divf %broadcast_in_dim3A, %div3A_36 : vector<2000x1xf32>
    %sub3A = vector.broadcast %div3A_37 : vector<2000x1xf32> to vector<2000x128xf32>
    %sub3A_38 = arith.subf %mul3A, %sub3A : vector<2000x128xf32>
    %sub3A_39 = vector.broadcast %div3A_37 : vector<2000x1xf32> to vector<2000x128xf32>
    %sub3A_40 = arith.subf %mul3A, %sub3A_39 : vector<2000x128xf32>
    %mul3A_41 = arith.mulf %sub3A_38, %sub3A_40 : vector<2000x128xf32>
    %reduce_sum3A_42 = arith.constant dense<0.000000e+00> : vector<2000xf32>
    %reduce_sum3A_43 = vector.multi_reduction <add>, %mul3A_41, %reduce_sum3A_42 [1] : vector<2000x128xf32> to vector<2000xf32>
    %broadcast_in_dim3A_44 = vector.shape_cast %reduce_sum3A_43 : vector<2000xf32> to vector<2000x1xf32>
    %div3A_45 = arith.constant 1.280000e+02 : f32
    %div3A_46 = vector.broadcast %div3A_45 : f32 to vector<2000x1xf32>
    %div3A_47 = arith.divf %broadcast_in_dim3A_44, %div3A_46 : vector<2000x1xf32>
    %sub3A_48 = vector.broadcast %div3A_37 : vector<2000x1xf32> to vector<2000x128xf32>
    %sub3A_49 = arith.subf %mul3A, %sub3A_48 : vector<2000x128xf32>
    %add3A_50 = arith.constant 9.99999974E-6 : f32
    %add3A_51 = vector.broadcast %add3A_50 : f32 to vector<2000x1xf32>
    %add3A_52 = arith.addf %div3A_47, %add3A_51 : vector<2000x1xf32>
    %sqrt3A = math.sqrt %add3A_52 : vector<2000x1xf32>
    %div3A_53 = vector.broadcast %sqrt3A : vector<2000x1xf32> to vector<2000x128xf32>
    %div3A_54 = arith.divf %sub3A_49, %div3A_53 : vector<2000x128xf32>
    %get3A_55 = arith.constant 0 : index
    %get3A_56 = arith.constant 0 : index
    %get3A_57 = vector.load %arg8[%get3A_55, %get3A_56] : memref<1x128xf32, #tpu.memory_space<vmem>>, vector<1x128xf32>
    %mul3A_58 = vector.broadcast %get3A_57 : vector<1x128xf32> to vector<2000x128xf32>
    %mul3A_59 = arith.mulf %div3A_54, %mul3A_58 : vector<2000x128xf32>
    %get3A_60 = arith.constant 0 : index
    %get3A_61 = arith.constant 0 : index
    %get3A_62 = vector.load %arg9[%get3A_60, %get3A_61] : memref<1x128xf32, #tpu.memory_space<vmem>>, vector<1x128xf32>
    %add3A_63 = vector.broadcast %get3A_62 : vector<1x128xf32> to vector<2000x128xf32>
    %add3A_64 = arith.addf %mul3A_59, %add3A_63 : vector<2000x128xf32>
    %get3A_65 = arith.constant 0 : index
    %get3A_66 = arith.constant 0 : index
    %get3A_67 = vector.load %arg5[%get3A_65, %get3A_66] : memref<2000x128xf32, #tpu.memory_space<vmem>>, vector<2000x128xf32>
    %add3A_68 = arith.addf %get3A_67, %add3A_64 : vector<2000x128xf32>
    %swap3A = arith.constant 0 : index
    %swap3A_69 = arith.constant 0 : index
    %swap3A_70 = vector.load %arg10[%swap3A, %swap3A_69] : memref<2000x128xf32, #tpu.memory_space<vmem>>, vector<2000x128xf32>
    tpu.vector_store %arg10[%swap3A, %swap3A_69], %add3A_68 {strides = array<i32>} : memref<2000x128xf32, #tpu.memory_space<vmem>>, vector<2000x128xf32>,
    return
  }
  func.func @transform_0(%arg0: i32) -> (i32, i32) {
    %c0_i32 = arith.constant 0 : i32
    %c0_i32_0 = arith.constant 0 : i32
    return %arg0, %c0_i32 : i32, i32
  }
  func.func @transform_1(%arg0: i32) -> (i32, i32) {
    %add3A = arith.constant 5 : i32
    %add3A_0 = arith.addi %arg0, %add3A : i32
    %c0_i32 = arith.constant 0 : i32
    %c0_i32_1 = arith.constant 0 : i32
    return %add3A_0, %c0_i32 : i32, i32
  }
  func.func @transform_2(%arg0: i32) -> (i32, i32) {
    %c0_i32 = arith.constant 0 : i32
    %c0_i32_0 = arith.constant 0 : i32
    return %arg0, %c0_i32 : i32, i32
  }
  func.func @transform_3(%arg0: i32) -> (i32, i32) {
    %add3A = arith.constant 5 : i32
    %add3A_0 = arith.addi %arg0, %add3A : i32
    %c0_i32 = arith.constant 0 : i32
    %c0_i32_1 = arith.constant 0 : i32
    return %add3A_0, %c0_i32 : i32, i32
  }
  func.func @transform_4(%arg0: i32) -> (i32, i32) {
    %c0_i32 = arith.constant 0 : i32
    %c0_i32_0 = arith.constant 0 : i32
    return %arg0, %c0_i32 : i32, i32
  }
  func.func @transform_5(%arg0: i32) -> (i32, i32) {
    %c0_i32 = arith.constant 0 : i32
    %c0_i32_0 = arith.constant 0 : i32
    %c0_i32_1 = arith.constant 0 : i32
    return %c0_i32, %c0_i32_0 : i32, i32
  }
  func.func @transform_6(%arg0: i32) -> (i32, i32) {
    %c0_i32 = arith.constant 0 : i32
    %c0_i32_0 = arith.constant 0 : i32
    %c0_i32_1 = arith.constant 0 : i32
    return %c0_i32, %c0_i32_0 : i32, i32
  }
  func.func @transform_7(%arg0: i32) -> (i32, i32) {
    %c0_i32 = arith.constant 0 : i32
    %c0_i32_0 = arith.constant 0 : i32
    %c0_i32_1 = arith.constant 0 : i32
    return %c0_i32, %c0_i32_0 : i32, i32
  }
  func.func @transform_8(%arg0: i32) -> (i32, i32) {
    %c0_i32 = arith.constant 0 : i32
    %c0_i32_0 = arith.constant 0 : i32
    %c0_i32_1 = arith.constant 0 : i32
    return %c0_i32, %c0_i32_0 : i32, i32
  }
  func.func @transform_9(%arg0: i32) -> (i32, i32) {
    %c0_i32 = arith.constant 0 : i32
    %c0_i32_0 = arith.constant 0 : i32
    return %arg0, %c0_i32 : i32, i32
  }
}

</mosaic_0001>

<sc_bundles>
// kernel: kernel.6.cloned.1.call-start
scs
__scs_entry_jumppad:
0x0: {  	(pc) =	sbr.rel $0x88, $3  }
0x1: {  	(tag) =	ssettag $0x0;
	lr =	simm.s32 $0x1  }
0x2: {  	[smem:$0x3F95] =	sst lr;
	_ =	strace $0xD0000000  }
0x3: {  	_ = 	snop  }
0x4: {  	_ = 	snop  }
0x5: {  	_ = 	snop  }
0x6: {  	_ = 	snop  }
0x7: {  	_ = 	snop  }
__scs_overlays_trampoline_lowered:
0x8: {  	[smem:$0x3FA4] =	sst s0  }
0x9: {  	[smem:$0x3FA5] =	sst s1  }
0xa: {  	[smem:$0x3FA6] =	sst s2  }
0xb: {  	[smem:$0x3FA7] =	sst s3  }
0xc: {  	[smem:$0x3FA8] =	sst s4  }
0xd: {  	[smem:$0x3FA9] =	sst s5  }
0xe: {  	[smem:$0x3FAA] =	sst s6  }
0xf: {  	[smem:$0x3FAB] =	sst s7  }
0x10: {  	[smem:$0x3FAC] =	sst s8  }
0x11: {  	[smem:$0x3FAD] =	sst s9;
	s0 =	simm.s32 @!p0 $0x0  }
0x12: {  	s1 =	sld [smem:$0x3F93];
	s0 =	simm.s32 @p0 $0x1  }
0x13: {  	[smem:$0x3FAE] =	sst s0;
	s0 =	simm.s32 @!p1 $0x0  }
0x14: {  	s2 =	sld [smem:$0x3F92];
	s0 =	simm.s32 @p1 $0x1  }
0x15: {  	[smem:$0x3FAF] =	sst s0;
	s0 =	simm.s32 @!p2 $0x0  }
0x16: {  	s3 =	sld [smem:$0x3FDB];
	s0 =	simm.s32 @p2 $0x1  }
0x17: {  	s4 =	simm.s32 $0x1BF5;
	[smem:$0x3FB1] =	sst s0  }
0x18: {  	s0 =	sld [smem:$0x3F94];
	_ =	swait.ge [sflag:s4], $0x0  }
0x19: {  	s7 =	sld [smem:$0x3F95]  }
0x1a: {  	s8 =	sadd.s32 $0xFFFFE003, lr  }
0x1b: {  	s9 =	sadd.s32 $0xFFFFFEF7, lr;
	s5 =	simm.s32 $0xFFFFFFFF;
	p2 =	slt.u32 s8, $0xFFFFF086  }
0x1c: {  	p1 =	slt.u32 s9, $0xF7A;
	s5 =	simm.s32 @!p2 $0x0  }
0x1d: {  	s5 =	simm.s32 @p1 $0x1;
	p0 =	seq.s32 s7, s2  }
0x1e: {  	s7 =	smul.u32 @!p0 $0xF7A, s2;
	p2 =	seq.s32 @!p0 s5, $0x0  }
0x1f: {  	s9 =	smul.u32 $0xF7A, s1;
	s8 =	simm.s32 @!p0 $0x1BF5;
	p2 =	por !p2, p0  }
0x20: {  	[sflag:s8] =	ssyncset.s32 @!p0 $0xFFFFF086;
	s6 =	sadd.s32 @!p0 s3, s7;
	s7 =	simm.s32 @!p0 $0x108  }
0x21: {  	s3 =	sadd.s32 s3, s9;
	s6 =	sadd.s32 @!p0 $0x88, s6;
	s7 =	simm.s32 @p2 $0x1082  }
0x22: {  	[simem:s7], [sflag:s8] =	dma.local @!p0 [hbm:s6], $0xF7A  }
0x23: {  	s9 =	sor.u32 $0xD0000000, s2;
	s6 =	simm.s32 $0x108;
	_ =	swait.ge @!p0 [sflag:s8], $0x0  }
0x24: {  	s3 =	sadd.s32 $0x88, s3;
	s6 =	simm.s32 @!p1 $0x1082;
	[sflag:s4] =	ssyncset.s32 $0xFFFFF086  }
0x25: {  	[simem:s6], [sflag:s4] =	dma.local [hbm:s3], $0xF7A  }
0x26: {  	[smem:$0x3F95] =	sst s1;
	(tag) =	ssettag s2;
	_ =	strace s9  }
0x27: {  	s1 =	sld [smem:$0x3FA5]  }
0x28: {  	s2 =	sld [smem:$0x3FA6]  }
0x29: {  	s4 =	sld [smem:$0x3FA8]  }
0x2a: {  	p0 =	seq.s32 s5, $0x0;
	s5 =	sld [smem:$0x3FA9]  }
0x2b: {  	s6 =	sld [smem:$0x3FAA]  }
0x2c: {  	s7 =	sld [smem:$0x3FAB]  }
0x2d: {  	s3 =	simm.s32 $0x108;
	s8 =	sld [smem:$0x3FAC]  }
0x2e: {  	s3 =	simm.s32 @!p0 $0x1082;
	s9 =	sld [smem:$0x3FAD]  }
0x2f: {  	lr =	sadd.s32 s0, s3;
	s0 =	sld [smem:$0x3FA4]  }
0x30: {  	s3 =	sld [smem:$0x3FA7]  }
0x31: {  	[smem:$0x3FB0] =	sst s10  }
0x32: {  	s10 =	sld [smem:$0x3FAE];
	_ =	sdelay $0x3  }
0x33: {  	p0 =	seq.s32 s10, $0x1;
	s10 =	sld [smem:$0x3FB0];
	_ =	sdelay $0x3  }
0x34: {  	[smem:$0x3FB0] =	sst s10  }
0x35: {  	s10 =	sld [smem:$0x3FAF];
	_ =	sdelay $0x3  }
0x36: {  	p1 =	seq.s32 s10, $0x1;
	s10 =	sld [smem:$0x3FB0];
	_ =	sdelay $0x3  }
0x37: {  	[smem:$0x3FB0] =	sst s10  }
0x38: {  	s10 =	sld [smem:$0x3FB1]  }
0x39: {  	_ = 	snop;
	(pc) =	sbr.ind lr, $3  }
0x3a: {  	_ = 	snop  }
0x3b: {  	_ = 	snop  }
0x3c: {  	p2 =	seq.s32 s10, $0x1;
	s10 =	sld [smem:$0x3FB0]  }
0x3d: {  	_ =	shalt  }
0x3e: {  	_ =	shalt  }
0x3f: {  	_ =	shalt  }
0x40: {  	_ =	shalt  }
0x41: {  	_ =	shalt  }
0x42: {  	_ =	shalt  }
0x43: {  	_ =	shalt  }
0x44: {  	_ =	shalt  }
0x45: {  	_ =	shalt  }
0x46: {  	_ =	shalt  }
0x47: {  	_ =	shalt  }
0x48: {  	_ =	shalt  }
0x49: {  	_ =	shalt  }
0x4a: {  	_ =	shalt  }
0x4b: {  	_ =	shalt  }
0x4c: {  	_ =	shalt  }
0x4d: {  	_ =	shalt  }
0x4e: {  	_ =	shalt  }
0x4f: {  	_ =	shalt  }
0x50: {  	_ =	shalt  }
0x51: {  	_ =	shalt  }
0x52: {  	_ =	shalt  }
0x53: {  	_ =	shalt  }
0x54: {  	_ =	shalt  }
0x55: {  	_ =	shalt  }
0x56: {  	_ =	shalt  }
0x57: {  	_ =	shalt  }
0x58: {  	_ =	shalt  }
0x59: {  	_ =	shalt  }
0x5a: {  	_ =	shalt  }
0x5b: {  	_ =	shalt  }
0x5c: {  	_ =	shalt  }
0x5d: {  	_ =	shalt  }
0x5e: {  	_ =	shalt  }
0x5f: {  	_ =	shalt  }
0x60: {  	_ =	shalt  }
0x61: {  	_ =	shalt  }
0x62: {  	_ =	shalt  }
0x63: {  	_ =	shalt  }
0x64: {  	_ =	shalt  }
0x65: {  	_ =	shalt  }
0x66: {  	_ =	shalt  }
0x67: {  	_ =	shalt  }
0x68: {  	_ =	shalt  }
0x69: {  	_ =	shalt  }
0x6a: {  	_ =	shalt  }
0x6b: {  	_ =	shalt  }
0x6c: {  	_ =	shalt  }
0x6d: {  	_ =	shalt  }
0x6e: {  	_ =	shalt  }
0x6f: {  	_ =	shalt  }
0x70: {  	_ =	shalt  }
0x71: {  	_ =	shalt  }
0x72: {  	_ =	shalt  }
0x73: {  	_ =	shalt  }
0x74: {  	_ =	shalt  }
0x75: {  	_ =	shalt  }
0x76: {  	_ =	shalt  }
0x77: {  	_ =	shalt  }
0x78: {  	_ =	shalt  }
0x79: {  	_ =	shalt  }
0x7a: {  	_ =	shalt  }
0x7b: {  	_ =	shalt  }
0x7c: {  	_ =	shalt  }
0x7d: {  	_ =	shalt  }
0x7e: {  	_ =	shalt  }
0x7f: {  	_ =	shalt  }
0x80: {  	_ =	shalt  }
0x81: {  	_ =	shalt  }
0x82: {  	_ =	shalt  }
0x83: {  	_ =	shalt  }
0x84: {  	_ =	shalt  }
0x85: {  	_ =	shalt  }
0x86: {  	_ =	shalt  }
0x87: {  	_ =	shalt  }
.Lfunc_end0:
.L_simem_size_0:
called_computation_lowered:
.L_overlay_start_0:
0x88: {  	s2 =	sld [smem:$0x3FD9]  }
0x89: {  	s3 =	sld [smem:$0x3FFE];
	_ =	sdelay $0x1  }
0x8a: {  	s1 =	srdreg.scid  }
0x8b: {  	s0 =	sand.u32 $0x1, s1  }
0x8c: {  	s14 =	sshll.u32 s0, $0xA;
	s2 =	sadd.s32 s3, s2  }
0x8d: {  	s2 =	sadd.s32 s2, s14  }
0x8e: {  	[smem:$0x3FBC] =	sst s2  }
0x8f: {  	_ = 	snop  }
0x90: {  	s2 =	sld [smem:$0x3FD0];
	_ =	sdelay $0x1  }
0x91: {  	s15 =	sld [smem:$0x3FC9]  }
0x92: {  	s5 =	simm.s32 $0xA;
	s6 =	simm.s32 $0x10;
	s4 =	sld [smem:$0x3FC8]  }
0x93: {  	[smem:s6], [sflag:s5] =	dma.local [hbm:s2], $0x1  }
0x94: {  	_ =	swait.eq [sflag:s5], $0x1  }
0x95: {  	[sflag:s5] =	ssyncset.done $0x0  }
0x96: {  	s16 =	sld [smem:$0x10];
	[sflag:s5] =	ssyncadd.s32 $0xFFFFFFFF  }
0x97: {  	s17 =	sld [smem:$0x11];
	(tm) =	ssettm $0x1  }
0x98: {  	s18 =	sld [smem:$0x3FFB];
	_ =	sdelay $0x3  }
0x99: {  	_ =	strace s18  }
0x9a: {  	s6 =	sld [smem:$0x3FFC];
	_ =	sdelay $0x3  }
0x9b: {  	_ =	strace s6  }
0x9c: {  	s6 =	sld [smem:$0x3FFD];
	_ =	sdelay $0x3  }
0x9d: {  	_ =	strace s6  }
0x9e: {  	_ =	strace $0x8FFFFFFF  }
0x9f: {  	s19 =	sld [smem:$0x3FDB];
	_ =	sdelay $0x1  }
0xa0: {  	s7 =	simm.s32 $_scs_section_size  }
0xa1: {  	s8 =	simm.s32 $_size__tile_overlayer_lowered;
	s9 =	simm.s32 $_tile_overlayer_lowered  }
0xa2: {  	s22 =	simm.s32 $0x1BFF;
	s21 =	sshll.u32 s9, $0x1;
	s6 =	sadd.s32 s7, s19  }
0xa3: {  	s10 =	simm.s32 $0x0;
	s20 =	sshll.u32 s8, $0x1;
	s8 =	sadd.s32 s21, s6  }
0xa4: {  	[timem:s10], [sflag:s22] =	dma.local [hbm:s8], s20  }
0xa5: {  	_ =	swait.ge [sflag:s22], s20  }
0xa6: {  	s7 =	ssub.s32 $0x0, s20;
	[sflag:s22] =	ssyncset.done $0x0  }
0xa7: {  	[sflag:s22] =	ssyncadd.s32 s7;
	_ =	sdelay $0x1  }
0xa8: {  	s23 =	simm.s32 $0x1B8B  }
0xa9: {  	_ =	swait.ge [sflag:s23], $0x1  }
0xaa: {  	[sflag:s23] =	ssyncset.done $0x0  }
0xab: {  	s25 =	simm.s32 $0x1B8E;
	s24 =	sld [smem:$0x3FFE];
	[sflag:s23] =	ssyncadd.s32 $0xFFFFFFFF  }
0xac: {  	s26 =	simm.s32 $execute0_lowered;
	[smem:$0x3FD2] =	sst s25  }
0xad: {  	s8 =	sshll.u32 s26, $0x1;
	_ =	strace $0x80000046;
	[dreg:$0x1] =	wrdreg $0xFFFFFFFF  }
0xae: {  	s28 =	simm.s32 $_size_execute0_lowered;
	s6 =	sadd.s32 s6, s8;
	[dreg:$0x0] =	wrdreg $0x0  }
0xaf: {  	s8 =	sshll.u32 s28, $0x1;
	[dreg:$0x2] =	wrdreg s6  }
0xb0: {  	[dreg:$0x3] =	wrdreg s8  }
0xb1: {  	[dreg:$0x4] =	wrdreg $0xC0  }
0xb2: {  	_ =	task [dreg:s10], $0x5FFFF  }
0xb3: {  	[dreg:$0x1] =	wrdreg $0xFFFFFFFF  }
0xb4: {  	[dreg:$0x0] =	wrdreg $0x60  }
0xb5: {  	[dreg:$0x2] =	wrdreg s15  }
0xb6: {  	[dreg:$0x3] =	wrdreg s4  }
0xb7: {  	[dreg:$0x4] =	wrdreg s17  }
0xb8: {  	[dreg:$0x5] =	wrdreg s16  }
0xb9: {  	[dreg:$0x6] =	wrdreg s24  }
0xba: {  	[dreg:$0x7] =	wrdreg $0xB5000  }
0xbb: {  	[dreg:$0x8] =	wrdreg $0x9  }
0xbc: {  	_ =	task.clear_ibuf [dreg:s10], $0x9FFFF;
	_ =	strace $0x90000046  }
0xbd: {  	s29 =	simm.s32 $0x9;
	_ =	strace $0x80000048  }
0xbe: {  	_ =	swait.ge [sflag:s29], $0x1  }
0xbf: {  	[sflag:s29] =	ssyncadd.s32 $0xFFFFFFFF  }
0xc0: {  	_ =	strace $0x90000048  }
0xc1: {  	_ =	sfence  }
0xc2: {  	s30 =	sld [smem:$0x0];
	_ =	sdelay $0x2  }
0xc3: {  	s31 =	sshll.u32 s1, $0xD;
	s1 =	sshrl.u32 s1, $0x2  }
0xc4: {  	s3 =	sand.u32 $0x4000, s31;
	s1 =	sadd.s32 s1, s30  }
0xc5: {  	s0 =	sor.u32 s3, s0;
	s1 =	sshll.u32 s1, $0x11  }
0xc6: {  	s0 =	sor.u32 s1, s0  }
0xc7: {  	s0 =	sadd.s32 $0x8F2B, s0  }
0xc8: {  	[sflag:s0] =	ssyncadd.remote.s32 $0x1  }
0xc9: {  	_ =	sfence.sel $0xFFFF  }
0xca: {  	[dreg:$0x0] =	wrdreg $0xFFFFFFFF;
	(pc) =	sbr.abs _section_cstart, $3  }
0xcb: {  	[dreg:$0x1] =	wrdreg $0xFFFFFFFF  }
0xcc: {  	_ =	task.clear_ibuf [dreg:s10], $0x2FFFF;
	_ =	strace $0x9FFFFFFF  }
0xcd: {  	(tm) =	ssettm $0x7FFFFFFF  }
tec
execute0_lowered:
.L_overlay_start_1:
0x0: {  	(tag) =	ssettag $0x1  }
0x1: {  	s0 =	rddreg [dreg:$0x0]  }
0x2: {  	s1 =	rddreg [dreg:$0x1]  }
0x3: {  	s2 =	rddreg [dreg:$0x2]  }
0x4: {  	s4 =	rddreg [dreg:$0x3]  }
0x5: {  	s3 =	srdreg.scid;
	s9 =	rddreg [dreg:$0x4]  }
0x6: {  	s6 =	rddreg [dreg:$0x5];
	s7 =	simm.s32 $0x0;
	s17 =	simm.s32 $0x3  }
0x7: {  	s18 =	simm.s32 $0x80;
	s19 =	simm.s32 $0x50;
	s20 =	simm.s32 $0x100  }
0x8: {  	s21 =	simm.s32 $0x2900;
	s22 =	simm.s32 $0x1;
	s10 =	sand.u32 $0x1, s3  }
0x9: {  	s23 =	simm.s32 $0x2;
	s3 =	stileid.u32;
	s8 =	smul.u32 $0x27100, s10  }
0xa: {  	s24 =	simm.s32 $0x5100;
	[smem:$0x7FF] =	sst s7;
	s11 =	smul.u32 $0x3E80, s3  }
0xb: {  	s25 =	simm.s32 $0x0;
	s12 =	smul.u32 $0x7D000, s3;
	_ =	strace $0x80000047  }
0xc: {  	s30 =	ssub.s32 $0x2, s10;
	s31 =	sshll.u32 s3, $0x1;
	p0 =	sgt.u32 s3, $0x9  }
0xd: {  	s13 =	sshrl.u32 s30, $0x1;
	s10 =	sor.u32 s10, s31;
	s11 =	sadd.s32 s11, s8  }
0xe: {  	s8 =	sadd.s32 $0x1A00, s9;
	s12 =	sshrl.u32 s12, $0x2;
	s16 =	ssub.s32 s30, s13  }
0xf: {  	s10 =	smul.u32 $0x2710, s10;
	s15 =	sadd.s32 s11, s9;
	s9 =	sadd.s32 s12, s6  }
0x10: {  	s16 =	smax.u32 s16, $0x1;
	s11 =	sadd.s32 $0x6400, s9;
	s12 =	sadd.s32 $0xC800, s9  }
0x11: {  	v0 =	vimm.f32 $0.0e+00;
	v1 =	vimm.f32 $1.000000000e+00;
	s13 =	sadd.s32 $0x12C00, s9;
	s14 =	sadd.s32 $0x19000, s9;
	s15 =	sadd.s32 $0x4E3A00, s15  }
.LBB2_1:
0x12: {  	s26 =	simm.s32 $0x0;
	s28 =	simm.s32 $0x200  }
.LBB2_2:
0x13: {  	p1 =	sne.s32 s28, $0x18E00;
	[tilespmem:s26+$0x5170] =	vst v0  }
0x14: {  	[tilespmem:s26+$0x5100] =	vst v0  }
0x15: {  	[tilespmem:s26+$0x5110] =	vst v0  }
.Ltmp0:
0x16: {  	[tilespmem:s26+$0x5120] =	vst v0;
	(pc) =	sbr.rel @p1 .LBB2_2-.Ltmp0, $4  }
0x17: {  	[tilespmem:s26+$0x5130] =	vst v0  }
0x18: {  	[tilespmem:s26+$0x5140] =	vst v0  }
0x19: {  	[tilespmem:s26+$0x5150] =	vst v0  }
0x1a: {  	[tilespmem:s26+$0x5160] =	vst v0;
	s26 =	sshra.s32 s28, $0x2;
	s28 =	sadd.s32 $0x200, s28  }
0x1b: {  	[tilespmem:s26+$0x5170] =	vst v0  }
0x1c: {  	[tilespmem:s26+$0x5100] =	vst v0  }
0x1d: {  	[tilespmem:s26+$0x5110] =	vst v0  }
0x1e: {  	[tilespmem:s26+$0x5120] =	vst v0  }
0x1f: {  	[tilespmem:s26+$0x5130] =	vst v0  }
0x20: {  	[tilespmem:s26+$0x5140] =	vst v0  }
0x21: {  	[tilespmem:s26+$0x5150] =	vst v0  }
0x22: {  	[tilespmem:s26+$0x5160] =	vst v0;
	s26 =	simm.s32 @!p0 $0x5100;
	s28 =	simm.s32 @!p0 $0x3  }
0x23: {  	[spmem:s9] =	stream.linear.scatter @!p0 [tilespmem:s26], [sflag:$0x3], $0x6400, $0x38;
	[tilespmem:$0x1ED80] =	vst v63  }
0x24: {  	_ =	swait.ge @!p0 [sflag:s28], $0x6400  }
0x25: {  	[sflag:s28] =	ssyncset.done @!p0 $0x0  }
0x26: {  	[sflag:s28] =	ssyncadd.s32 @!p0 $0xFFFF9C00  }
0x27: {  	[spmem:s11] =	stream.linear.scatter @!p0 [tilespmem:s26], [sflag:$0x3], $0x6400, $0x38;
	[tilespmem:$0x1ED80] =	vst v63  }
0x28: {  	_ =	swait.ge @!p0 [sflag:s28], $0x6400  }
0x29: {  	[sflag:s28] =	ssyncset.done @!p0 $0x0  }
0x2a: {  	[sflag:s28] =	ssyncadd.s32 @!p0 $0xFFFF9C00  }
0x2b: {  	[spmem:s12] =	stream.linear.scatter @!p0 [tilespmem:s26], [sflag:$0x3], $0x6400, $0x38;
	[tilespmem:$0x1ED80] =	vst v63  }
0x2c: {  	_ =	swait.ge @!p0 [sflag:s28], $0x6400  }
0x2d: {  	[sflag:s28] =	ssyncset.done @!p0 $0x0  }
0x2e: {  	[sflag:s28] =	ssyncadd.s32 @!p0 $0xFFFF9C00  }
0x2f: {  	[spmem:s13] =	stream.linear.scatter @!p0 [tilespmem:s26], [sflag:$0x3], $0x6400, $0x38;
	[tilespmem:$0x1ED80] =	vst v63  }
0x30: {  	_ =	swait.ge @!p0 [sflag:s28], $0x6400  }
0x31: {  	[sflag:s28] =	ssyncset.done @!p0 $0x0  }
0x32: {  	[sflag:s28] =	ssyncadd.s32 @!p0 $0xFFFF9C00  }
0x33: {  	[spmem:s14] =	stream.linear.scatter @!p0 [tilespmem:s26], [sflag:$0x3], $0x6400, $0x38;
	[tilespmem:$0x1ED80] =	vst v63  }
0x34: {  	_ =	swait.ge @!p0 [sflag:s28], $0x6400  }
0x35: {  	[sflag:s28] =	ssyncset.done @!p0 $0x0  }
0x36: {  	s26 =	simm.s32 $0x0;
	[sflag:s28] =	ssyncadd.s32 @!p0 $0xFFFF9C00;
	s28 =	simm.s32 $0x200  }
.LBB2_4:
0x37: {  	p1 =	sne.s32 s28, $0x9E00;
	[tilespmem:s26+$0x5170] =	vst v1  }
0x38: {  	[tilespmem:s26+$0x5100] =	vst v1  }
0x39: {  	[tilespmem:s26+$0x5110] =	vst v1  }
.Ltmp1:
0x3a: {  	[tilespmem:s26+$0x5120] =	vst v1;
	(pc) =	sbr.rel @p1 .LBB2_4-.Ltmp1, $4  }
0x3b: {  	[tilespmem:s26+$0x5130] =	vst v1  }
0x3c: {  	[tilespmem:s26+$0x5140] =	vst v1  }
0x3d: {  	[tilespmem:s26+$0x5150] =	vst v1  }
0x3e: {  	[tilespmem:s26+$0x5160] =	vst v1;
	s26 =	sshra.s32 s28, $0x2;
	s28 =	sadd.s32 $0x200, s28  }
0x3f: {  	[tilespmem:s26+$0x5170] =	vst v1  }
0x40: {  	[tilespmem:s26+$0x5100] =	vst v1  }
0x41: {  	[tilespmem:s26+$0x5110] =	vst v1  }
0x42: {  	[tilespmem:s26+$0x5120] =	vst v1  }
0x43: {  	[tilespmem:s26+$0x5130] =	vst v1  }
0x44: {  	[tilespmem:s26+$0x5140] =	vst v1  }
0x45: {  	[tilespmem:s26+$0x5150] =	vst v1  }
0x46: {  	[tilespmem:s26+$0x5160] =	vst v1  }
0x47: {  	s26 =	simm.s32 $0x0;
	s28 =	simm.s32 $0x0;
	[bflag:$0x0] =	sbarrier.arrive $0xFFFF  }
.LBB2_6:
0x48: {  	s29 =	smul.u32 $0x50, s28;
	_ =	sdelay $0x1  }
0x49: {  	s29 =	sadd.s32 s10, s29  }
0x4a: {  	s30 =	sshrl.u32 s29, $0x3  }
0x4b: {  	s31 =	sadd.s32 s2, s30  }
0x4c: {  	[tilespmem:s26], [sflag:$0x3] =	stream.linear.gather [hbm4b:s31+s26], $0x50, $0x38;
	[tilespmem:$0x1ED80] =	vst v63  }
0x4d: {  	_ =	swait.ge [sflag:s17], $0x50  }
0x4e: {  	[sflag:s17] =	ssyncset.done $0x0  }
0x4f: {  	s30 =	sadd.s32 s4, s30;
	[sflag:s17] =	ssyncadd.s32 $0xFFFFFFB0  }
0x50: {  	[tilespmem:s18], [sflag:$0x3] =	stream.linear.gather [hbm4b:s30+s26], $0x50, $0x38;
	[tilespmem:$0x1ED80] =	vst v63  }
0x51: {  	_ =	swait.ge [sflag:s17], $0x50  }
0x52: {  	[sflag:s17] =	ssyncset.done $0x0  }
0x53: {  	[sflag:s17] =	ssyncadd.s32 $0xFFFFFFB0  }
0x54: {  	[tilespmem:s20], [sflag:$0x1] =	stream.indirect.gather [hbm4b:s0+s19], $0x80, s26, s19, $0xb8;
	[tilespmem:$0x1ED80] =	vst v63  }
0x55: {  	_ = 	snop  }
0x56: {  	[tilespmem:s21], [sflag:$0x2] =	stream.indirect.gather [hbm4b:s1+s19], $0x80, s18, s19, $0xb8;
	[tilespmem:$0x1ED80] =	vst v63  }
0x57: {  	_ =	swait.ge [sflag:s22], $0x2800  }
0x58: {  	[sflag:s22] =	ssyncset.done $0x0  }
0x59: {  	[sflag:s22] =	ssyncadd.s32 $0xFFFFD800  }
0x5a: {  	_ =	swait.ge [sflag:s23], $0x2800  }
0x5b: {  	[sflag:s23] =	ssyncset.done $0x0  }
0x5c: {  	s30 =	simm.s32 $0x0;
	[sflag:s23] =	ssyncadd.s32 $0xFFFFD800  }
0x5d: {  	v9 =	vld [tilespmem:s30+$0x2900]  }
0x5e: {  	v13 =	vld [tilespmem:s30+$0x2910]  }
0x5f: {  	v7 =	vld [tilespmem:s30+$0x2920]  }
0x60: {  	v6 =	vld [tilespmem:s30+$0x2930]  }
0x61: {  	v5 =	vld [tilespmem:s30+$0x2940]  }
0x62: {  	v4 =	vld [tilespmem:s30+$0x2950]  }
0x63: {  	v3 =	vld [tilespmem:s30+$0x2960]  }
0x64: {  	v2 =	vld [tilespmem:s30+$0x2970]  }
0x65: {  	v14 =	vld [tilespmem:s30+$0x100]  }
0x66: {  	v15 =	vld [tilespmem:s30+$0x110]  }
0x67: {  	v12 =	vld [tilespmem:s30+$0x120]  }
0x68: {  	v11 =	vld [tilespmem:s30+$0x130]  }
0x69: {  	v10 =	vld [tilespmem:s30+$0x140]  }
0x6a: {  	v8 =	vld [tilespmem:s30+$0x150];
	v14 =	vadd.f32 v9, v14  }
0x6b: {  	s31 =	simm.s32 $0x200;
	v13 =	vadd.f32 v13, v15;
	v9 =	vld [tilespmem:s30+$0x160]  }
.LBB2_7:
0x6c: {  	s5 =	sshra.s32 s31, $0x2;
	p1 =	sne.s32 s31, $0x9E00;
	[tilespmem:s30+$0x100] =	vst v14;
	v7 =	vadd.f32 v7, v12;
	v12 =	vld [tilespmem:s30+$0x170]  }
0x6d: {  	v14 =	vld [tilespmem:s5+$0x2900];
	[tilespmem:s30+$0x110] =	vst v13;
	v6 =	vadd.f32 v6, v11  }
0x6e: {  	v13 =	vld [tilespmem:s5+$0x2910];
	[tilespmem:s30+$0x120] =	vst v7;
	v5 =	vadd.f32 v5, v10  }
0x6f: {  	v7 =	vld [tilespmem:s5+$0x2920];
	[tilespmem:s30+$0x130] =	vst v6;
	v4 =	vadd.f32 v4, v8  }
0x70: {  	v6 =	vld [tilespmem:s5+$0x2930];
	[tilespmem:s30+$0x140] =	vst v5;
	v3 =	vadd.f32 v3, v9  }
0x71: {  	v5 =	vld [tilespmem:s5+$0x2940];
	[tilespmem:s30+$0x150] =	vst v4;
	v2 =	vadd.f32 v2, v12  }
0x72: {  	v4 =	vld [tilespmem:s5+$0x2950];
	[tilespmem:s30+$0x160] =	vst v3  }
0x73: {  	v3 =	vld [tilespmem:s5+$0x2960];
	[tilespmem:s30+$0x170] =	vst v2;
	s30 =	smov.u32 s5  }
0x74: {  	v2 =	vld [tilespmem:s30+$0x2970]  }
0x75: {  	v8 =	vld [tilespmem:s30+$0x100]  }
0x76: {  	v9 =	vld [tilespmem:s30+$0x110]  }
.Ltmp2:
0x77: {  	v12 =	vld [tilespmem:s30+$0x120];
	(pc) =	sbr.rel @p1 .LBB2_7-.Ltmp2, $4  }
0x78: {  	v11 =	vld [tilespmem:s30+$0x130]  }
0x79: {  	v10 =	vld [tilespmem:s30+$0x140]  }
0x7a: {  	v14 =	vadd.f32 v14, v8;
	v8 =	vld [tilespmem:s30+$0x150]  }
0x7b: {  	s31 =	sadd.s32 $0x200, s31;
	v13 =	vadd.f32 v13, v9;
	v9 =	vld [tilespmem:s30+$0x160]  }
0x7c: {  	[tilespmem:s30+$0x100] =	vst v14;
	v7 =	vadd.f32 v7, v12;
	v63 =	vld [tilespmem:s30+$0x170]  }
0x7d: {  	[tilespmem:s30+$0x110] =	vst v13;
	v6 =	vadd.f32 v6, v11  }
0x7e: {  	[tilespmem:s30+$0x120] =	vst v7;
	v5 =	vadd.f32 v5, v10  }
0x7f: {  	[tilespmem:s30+$0x130] =	vst v6;
	v4 =	vadd.f32 v4, v8  }
0x80: {  	[tilespmem:s30+$0x140] =	vst v5;
	v3 =	vadd.f32 v3, v9  }
0x81: {  	[tilespmem:s30+$0x150] =	vst v4;
	v2 =	vadd.f32 v2, v63  }
0x82: {  	s5 =	sshll.u32 s29, $0x4;
	[tilespmem:s30+$0x160] =	vst v3  }
0x83: {  	s5 =	sadd.s32 s8, s5;
	[tilespmem:s30+$0x170] =	vst v2  }
0x84: {  	[hbm4b:s5+s7] =	stream.linear.scatter [tilespmem:s20], [sflag:$0x3], $0x2800, $0x38;
	[tilespmem:$0x1ED80] =	vst v63  }
0x85: {  	s28 =	sadd.s32 $0x1, s28;
	_ =	swait.ge [sflag:s17], $0x2800  }
0x86: {  	p1 =	sne.s32 s28, $0x7D;
	[sflag:s17] =	ssyncset.done $0x0  }
.Ltmp3:
0x87: {  	[sflag:s17] =	ssyncadd.s32 $0xFFFFD800;
	(pc) =	sbr.rel @p1 .LBB2_6-.Ltmp3, $4  }
0x88: {  	[spmem:s6] =	stream.indirect.scatter.add.f32 [tilespmem:s24], [sflag:$0x3], $0x80, s18, s19, $0xb8;
	[tilespmem:$0x1ED80] =	vst v63  }
0x89: {  	_ =	swait.ge [sflag:s17], $0x2800  }
0x8a: {  	[sflag:s17] =	ssyncset.done $0x0  }
0x8b: {  	[sflag:s17] =	ssyncadd.s32 $0xFFFFD800  }
0x8c: {  	s5 =	sshll.u32 @!p0 s3, $0x6;
	[bflag:$0x0] =	sbarrier.arrive $0xFFFF;
	s25 =	sadd.s32 $0x1, s25  }
0x8d: {  	s26 =	sshrl.u32 @!p0 s9, $0x3;
	s5 =	sor.u32 @!p0 $0x1C03, s5;
	p1 =	sne.s32 s25, s16  }
0x8e: {  	[hbm:s15], [sflag:s5] =	dma.local @!p0 [spmem:s26], $0x3E80  }
.Ltmp4:
0x8f: {  	_ = 	snop;
	(pc) =	sbr.rel @p1 .LBB2_1-.Ltmp4, $4  }
0x90: {  	s5 =	simm.s32 @!p0 $0x3  }
0x91: {  	_ =	swait.ge @!p0 [sflag:s5], $0x3E80  }
0x92: {  	[sflag:s5] =	ssyncset.done @!p0 $0x0  }
0x93: {  	[sflag:s5] =	ssyncadd.s32 @!p0 $0xFFFFC180  }
0x94: {  	_ =	sfence.sel $0x180000  }
0x95: {  	[bflag:$0x0] =	sbarrier.arrive $0xFFFF  }
0x96: {  	_ =	strace $0x90000047  }
0x97: {  	[bflag:$0x2] =	sbarrier.arrive $0xFFFF  }
0x98: {  	p0 =	sne.s32 s3, $0x0;
	s0 =	rddreg [dreg:$0x6]  }
0x99: {  	s0 =	sadd.s32 @!p0 $0x100000, s0  }
0x9a: {  	[sflag:s0] =	ssyncadd.tile.s32 @!p0 $0x1;
	_ =	shalt  }
.Lfunc_end2:
_tile_overlayer_lowered:
.L_overlay_start_2:
0x9b: {  	(tag) =	ssettag $0x2  }
0x9c: {  	s0 =	rddreg [dreg:$0x0];
	s2 =	stileid.u32  }
0x9d: {  	s1 =	rddreg [dreg:$0x1];
	p0 =	sne.s32 s2, $0x0  }
0x9e: {  	s3 =	rddreg [dreg:$0x2];
	[bflag:$0x3] =	sbarrier.arrive $0xFFFF;
	s2 =	simm.s32 @!p0 $0x1C03  }
0x9f: {  	[timem:s3], [sflag:s2] =	dma.local @!p0 [hbm:s0], s1  }
0xa0: {  	s0 =	simm.s32 @!p0 $0x3  }
0xa1: {  	_ =	swait.ge @!p0 [sflag:s0], s1  }
0xa2: {  	s1 =	ssub.s32 @!p0 $0x0, s1;
	[sflag:s0] =	ssyncset.done @!p0 $0x0  }
0xa3: {  	[sflag:s0] =	ssyncadd.s32 @!p0 s1  }
0xa4: {  	[bflag:$0x3] =	sbarrier.arrive $0xFFFF  }
0xa5: {  	_ =	shalt  }

// kernel: kernel.9.cloned.1.call-start
scs
__scs_entry_jumppad:
0x0: {  	(pc) =	sbr.rel $0x88, $3  }
0x1: {  	(tag) =	ssettag $0x0;
	lr =	simm.s32 $0x1  }
0x2: {  	[smem:$0x3F95] =	sst lr;
	_ =	strace $0xD0000000  }
0x3: {  	_ = 	snop  }
0x4: {  	_ = 	snop  }
0x5: {  	_ = 	snop  }
0x6: {  	_ = 	snop  }
0x7: {  	_ = 	snop  }
__scs_overlays_trampoline_lowered:
0x8: {  	[smem:$0x3FA4] =	sst s0  }
0x9: {  	[smem:$0x3FA5] =	sst s1  }
0xa: {  	[smem:$0x3FA6] =	sst s2  }
0xb: {  	[smem:$0x3FA7] =	sst s3  }
0xc: {  	[smem:$0x3FA8] =	sst s4  }
0xd: {  	[smem:$0x3FA9] =	sst s5  }
0xe: {  	[smem:$0x3FAA] =	sst s6  }
0xf: {  	[smem:$0x3FAB] =	sst s7  }
0x10: {  	[smem:$0x3FAC] =	sst s8  }
0x11: {  	[smem:$0x3FAD] =	sst s9;
	s0 =	simm.s32 @!p0 $0x0  }
0x12: {  	s1 =	sld [smem:$0x3F93];
	s0 =	simm.s32 @p0 $0x1  }
0x13: {  	[smem:$0x3FAE] =	sst s0;
	s0 =	simm.s32 @!p1 $0x0  }
0x14: {  	s2 =	sld [smem:$0x3F92];
	s0 =	simm.s32 @p1 $0x1  }
0x15: {  	[smem:$0x3FAF] =	sst s0;
	s0 =	simm.s32 @!p2 $0x0  }
0x16: {  	s3 =	sld [smem:$0x3FDB];
	s0 =	simm.s32 @p2 $0x1  }
0x17: {  	s4 =	simm.s32 $0x1BF5;
	[smem:$0x3FB1] =	sst s0  }
0x18: {  	s0 =	sld [smem:$0x3F94];
	_ =	swait.ge [sflag:s4], $0x0  }
0x19: {  	s7 =	sld [smem:$0x3F95]  }
0x1a: {  	s8 =	sadd.s32 $0xFFFFE003, lr  }
0x1b: {  	s9 =	sadd.s32 $0xFFFFFEF7, lr;
	s5 =	simm.s32 $0xFFFFFFFF;
	p2 =	slt.u32 s8, $0xFFFFF086  }
0x1c: {  	p1 =	slt.u32 s9, $0xF7A;
	s5 =	simm.s32 @!p2 $0x0  }
0x1d: {  	s5 =	simm.s32 @p1 $0x1;
	p0 =	seq.s32 s7, s2  }
0x1e: {  	s7 =	smul.u32 @!p0 $0xF7A, s2;
	p2 =	seq.s32 @!p0 s5, $0x0  }
0x1f: {  	s9 =	smul.u32 $0xF7A, s1;
	s8 =	simm.s32 @!p0 $0x1BF5;
	p2 =	por !p2, p0  }
0x20: {  	[sflag:s8] =	ssyncset.s32 @!p0 $0xFFFFF086;
	s6 =	sadd.s32 @!p0 s3, s7;
	s7 =	simm.s32 @!p0 $0x108  }
0x21: {  	s3 =	sadd.s32 s3, s9;
	s6 =	sadd.s32 @!p0 $0x88, s6;
	s7 =	simm.s32 @p2 $0x1082  }
0x22: {  	[simem:s7], [sflag:s8] =	dma.local @!p0 [hbm:s6], $0xF7A  }
0x23: {  	s9 =	sor.u32 $0xD0000000, s2;
	s6 =	simm.s32 $0x108;
	_ =	swait.ge @!p0 [sflag:s8], $0x0  }
0x24: {  	s3 =	sadd.s32 $0x88, s3;
	s6 =	simm.s32 @!p1 $0x1082;
	[sflag:s4] =	ssyncset.s32 $0xFFFFF086  }
0x25: {  	[simem:s6], [sflag:s4] =	dma.local [hbm:s3], $0xF7A  }
0x26: {  	[smem:$0x3F95] =	sst s1;
	(tag) =	ssettag s2;
	_ =	strace s9  }
0x27: {  	s1 =	sld [smem:$0x3FA5]  }
0x28: {  	s2 =	sld [smem:$0x3FA6]  }
0x29: {  	s4 =	sld [smem:$0x3FA8]  }
0x2a: {  	p0 =	seq.s32 s5, $0x0;
	s5 =	sld [smem:$0x3FA9]  }
0x2b: {  	s6 =	sld [smem:$0x3FAA]  }
0x2c: {  	s7 =	sld [smem:$0x3FAB]  }
0x2d: {  	s3 =	simm.s32 $0x108;
	s8 =	sld [smem:$0x3FAC]  }
0x2e: {  	s3 =	simm.s32 @!p0 $0x1082;
	s9 =	sld [smem:$0x3FAD]  }
0x2f: {  	lr =	sadd.s32 s0, s3;
	s0 =	sld [smem:$0x3FA4]  }
0x30: {  	s3 =	sld [smem:$0x3FA7]  }
0x31: {  	[smem:$0x3FB0] =	sst s10  }
0x32: {  	s10 =	sld [smem:$0x3FAE];
	_ =	sdelay $0x3  }
0x33: {  	p0 =	seq.s32 s10, $0x1;
	s10 =	sld [smem:$0x3FB0];
	_ =	sdelay $0x3  }
0x34: {  	[smem:$0x3FB0] =	sst s10  }
0x35: {  	s10 =	sld [smem:$0x3FAF];
	_ =	sdelay $0x3  }
0x36: {  	p1 =	seq.s32 s10, $0x1;
	s10 =	sld [smem:$0x3FB0];
	_ =	sdelay $0x3  }
0x37: {  	[smem:$0x3FB0] =	sst s10  }
0x38: {  	s10 =	sld [smem:$0x3FB1]  }
0x39: {  	_ = 	snop;
	(pc) =	sbr.ind lr, $3  }
0x3a: {  	_ = 	snop  }
0x3b: {  	_ = 	snop  }
0x3c: {  	p2 =	seq.s32 s10, $0x1;
	s10 =	sld [smem:$0x3FB0]  }
0x3d: {  	_ =	shalt  }
0x3e: {  	_ =	shalt  }
0x3f: {  	_ =	shalt  }
0x40: {  	_ =	shalt  }
0x41: {  	_ =	shalt  }
0x42: {  	_ =	shalt  }
0x43: {  	_ =	shalt  }
0x44: {  	_ =	shalt  }
0x45: {  	_ =	shalt  }
0x46: {  	_ =	shalt  }
0x47: {  	_ =	shalt  }
0x48: {  	_ =	shalt  }
0x49: {  	_ =	shalt  }
0x4a: {  	_ =	shalt  }
0x4b: {  	_ =	shalt  }
0x4c: {  	_ =	shalt  }
0x4d: {  	_ =	shalt  }
0x4e: {  	_ =	shalt  }
0x4f: {  	_ =	shalt  }
0x50: {  	_ =	shalt  }
0x51: {  	_ =	shalt  }
0x52: {  	_ =	shalt  }
0x53: {  	_ =	shalt  }
0x54: {  	_ =	shalt  }
0x55: {  	_ =	shalt  }
0x56: {  	_ =	shalt  }
0x57: {  	_ =	shalt  }
0x58: {  	_ =	shalt  }
0x59: {  	_ =	shalt  }
0x5a: {  	_ =	shalt  }
0x5b: {  	_ =	shalt  }
0x5c: {  	_ =	shalt  }
0x5d: {  	_ =	shalt  }
0x5e: {  	_ =	shalt  }
0x5f: {  	_ =	shalt  }
0x60: {  	_ =	shalt  }
0x61: {  	_ =	shalt  }
0x62: {  	_ =	shalt  }
0x63: {  	_ =	shalt  }
0x64: {  	_ =	shalt  }
0x65: {  	_ =	shalt  }
0x66: {  	_ =	shalt  }
0x67: {  	_ =	shalt  }
0x68: {  	_ =	shalt  }
0x69: {  	_ =	shalt  }
0x6a: {  	_ =	shalt  }
0x6b: {  	_ =	shalt  }
0x6c: {  	_ =	shalt  }
0x6d: {  	_ =	shalt  }
0x6e: {  	_ =	shalt  }
0x6f: {  	_ =	shalt  }
0x70: {  	_ =	shalt  }
0x71: {  	_ =	shalt  }
0x72: {  	_ =	shalt  }
0x73: {  	_ =	shalt  }
0x74: {  	_ =	shalt  }
0x75: {  	_ =	shalt  }
0x76: {  	_ =	shalt  }
0x77: {  	_ =	shalt  }
0x78: {  	_ =	shalt  }
0x79: {  	_ =	shalt  }
0x7a: {  	_ =	shalt  }
0x7b: {  	_ =	shalt  }
0x7c: {  	_ =	shalt  }
0x7d: {  	_ =	shalt  }
0x7e: {  	_ =	shalt  }
0x7f: {  	_ =	shalt  }
0x80: {  	_ =	shalt  }
0x81: {  	_ =	shalt  }
0x82: {  	_ =	shalt  }
0x83: {  	_ =	shalt  }
0x84: {  	_ =	shalt  }
0x85: {  	_ =	shalt  }
0x86: {  	_ =	shalt  }
0x87: {  	_ =	shalt  }
.Lfunc_end0:
.L_simem_size_0:
called_computation.1_lowered:
.L_overlay_start_0:
0x88: {  	s2 =	sld [smem:$0x3FD9]  }
0x89: {  	s3 =	sld [smem:$0x3FFE];
	_ =	sdelay $0x1  }
0x8a: {  	s1 =	srdreg.scid  }
0x8b: {  	s0 =	sand.u32 $0x1, s1  }
0x8c: {  	s14 =	sshll.u32 s0, $0xA;
	s2 =	sadd.s32 s3, s2  }
0x8d: {  	s2 =	sadd.s32 s2, s14  }
0x8e: {  	[smem:$0x3FBC] =	sst s2  }
0x8f: {  	_ = 	snop  }
0x90: {  	s2 =	sld [smem:$0x3FD0];
	_ =	sdelay $0x2  }
0x91: {  	s15 =	simm.s32 $0xA;
	s4 =	simm.s32 $0x10  }
0x92: {  	[smem:s4], [sflag:s15] =	dma.local [hbm:s2], $0x1  }
0x93: {  	_ =	swait.eq [sflag:s15], $0x1  }
0x94: {  	[sflag:s15] =	ssyncset.done $0x0  }
0x95: {  	[sflag:s15] =	ssyncadd.s32 $0xFFFFFFFF  }
0x96: {  	s16 =	sld [smem:$0x10];
	(tm) =	ssettm $0x1  }
0x97: {  	s17 =	sld [smem:$0x3FFB];
	_ =	sdelay $0x3  }
0x98: {  	_ =	strace s17  }
0x99: {  	s3 =	sld [smem:$0x3FFC];
	_ =	sdelay $0x3  }
0x9a: {  	_ =	strace s3  }
0x9b: {  	s3 =	sld [smem:$0x3FFD];
	_ =	sdelay $0x3  }
0x9c: {  	_ =	strace s3  }
0x9d: {  	_ =	strace $0x8FFFFFFF  }
0x9e: {  	s18 =	sld [smem:$0x3FDB];
	_ =	sdelay $0x1  }
0x9f: {  	s19 =	simm.s32 $_scs_section_size  }
0xa0: {  	s5 =	simm.s32 $_size__tile_overlayer_lowered;
	s6 =	simm.s32 $_tile_overlayer_lowered  }
0xa1: {  	s22 =	simm.s32 $0x1BFF;
	s21 =	sshll.u32 s6, $0x1;
	s3 =	sadd.s32 s19, s18  }
0xa2: {  	s7 =	simm.s32 $0x0;
	s20 =	sshll.u32 s5, $0x1;
	s5 =	sadd.s32 s21, s3  }
0xa3: {  	[timem:s7], [sflag:s22] =	dma.local [hbm:s5], s20  }
0xa4: {  	_ =	swait.ge [sflag:s22], s20  }
0xa5: {  	s4 =	ssub.s32 $0x0, s20;
	[sflag:s22] =	ssyncset.done $0x0  }
0xa6: {  	[sflag:s22] =	ssyncadd.s32 s4;
	_ =	sdelay $0x1  }
0xa7: {  	s23 =	simm.s32 $0x1B8B  }
0xa8: {  	_ =	swait.ge [sflag:s23], $0x1  }
0xa9: {  	[sflag:s23] =	ssyncset.done $0x0  }
0xaa: {  	s25 =	simm.s32 $0x1B8E;
	s24 =	sld [smem:$0x3FFE];
	[sflag:s23] =	ssyncadd.s32 $0xFFFFFFFF  }
0xab: {  	s26 =	simm.s32 $execute0_lowered;
	[smem:$0x3FD2] =	sst s25  }
0xac: {  	s5 =	sshll.u32 s26, $0x1;
	_ =	strace $0x80000049;
	[dreg:$0x1] =	wrdreg $0xFFFFFFFF  }
0xad: {  	s28 =	simm.s32 $_size_execute0_lowered;
	s3 =	sadd.s32 s3, s5;
	[dreg:$0x0] =	wrdreg $0x0  }
0xae: {  	s5 =	sshll.u32 s28, $0x1;
	[dreg:$0x2] =	wrdreg s3  }
0xaf: {  	[dreg:$0x3] =	wrdreg s5  }
0xb0: {  	[dreg:$0x4] =	wrdreg $0xC0  }
0xb1: {  	_ =	task [dreg:s7], $0x5FFFF  }
0xb2: {  	[dreg:$0x1] =	wrdreg $0xFFFFFFFF  }
0xb3: {  	[dreg:$0x0] =	wrdreg $0x60  }
0xb4: {  	[dreg:$0x2] =	wrdreg s24  }
0xb5: {  	[dreg:$0x3] =	wrdreg s16  }
0xb6: {  	[dreg:$0x4] =	wrdreg $0x8C800  }
0xb7: {  	[dreg:$0x5] =	wrdreg $0x9  }
0xb8: {  	_ =	task.clear_ibuf [dreg:s7], $0x6FFFF;
	_ =	strace $0x90000049  }
0xb9: {  	s29 =	simm.s32 $0x9;
	_ =	strace $0x8000004B  }
0xba: {  	_ =	swait.ge [sflag:s29], $0x1  }
0xbb: {  	[sflag:s29] =	ssyncadd.s32 $0xFFFFFFFF  }
0xbc: {  	_ =	strace $0x9000004B  }
0xbd: {  	_ =	sfence  }
0xbe: {  	s30 =	sld [smem:$0x0];
	_ =	sdelay $0x2  }
0xbf: {  	s31 =	sshll.u32 s1, $0xD;
	s1 =	sshrl.u32 s1, $0x2  }
0xc0: {  	s3 =	sand.u32 $0x4000, s31;
	s1 =	sadd.s32 s1, s30  }
0xc1: {  	s0 =	sor.u32 s3, s0;
	s1 =	sshll.u32 s1, $0x11  }
0xc2: {  	s0 =	sor.u32 s1, s0  }
0xc3: {  	s0 =	sadd.s32 $0x8F2B, s0  }
0xc4: {  	[sflag:s0] =	ssyncadd.remote.s32 $0x1  }
0xc5: {  	_ =	sfence.sel $0xFFFF  }
0xc6: {  	[dreg:$0x0] =	wrdreg $0xFFFFFFFF;
	(pc) =	sbr.abs _section_cstart, $3  }
0xc7: {  	[dreg:$0x1] =	wrdreg $0xFFFFFFFF  }
0xc8: {  	_ =	task.clear_ibuf [dreg:s7], $0x2FFFF;
	_ =	strace $0x9FFFFFFF  }
0xc9: {  	(tm) =	ssettm $0x7FFFFFFF  }
tec
execute0_lowered:
.L_overlay_start_1:
0x0: {  	(tag) =	ssettag $0x1  }
0x1: {  	s4 =	rddreg [dreg:$0x0]  }
0x2: {  	s12 =	rddreg [dreg:$0x1];
	s2 =	stileid.u32  }
0x3: {  	s0 =	srdreg.scid;
	s7 =	smul.u32 $0x3E80, s2  }
0x4: {  	s1 =	rddreg [dreg:$0x2];
	s3 =	simm.s32 $0x0;
	s8 =	smul.u32 $0x7D000, s2  }
0x5: {  	s16 =	simm.s32 $0x50;
	s19 =	simm.s32 $0x0;
	s14 =	smul.u32 $0x2710, s2  }
0x6: {  	s5 =	sand.u32 $0x1, s0;
	s0 =	rddreg [dreg:$0x3];
	s15 =	smul.u32 $0x27100, s2  }
0x7: {  	[smem:$0x7FF] =	sst s3;
	p0 =	sgt.u32 s2, $0x9;
	s6 =	smul.u32 $0x271000, s5  }
0x8: {  	s9 =	smul.u32 $0x27100, s5;
	_ =	strace $0x8000004A;
	s5 =	ssub.s32 $0x2, s5  }
0x9: {  	s17 =	sshll.u32 @!p0 s2, $0x6;
	s29 =	sshrl.u32 s5, $0x1;
	s30 =	sshrl.u32 s8, $0x2  }
0xa: {  	s17 =	sor.u32 @!p0 $0x1C02, s17;
	s10 =	sadd.s32 s6, s4;
	s28 =	sadd.s32 s7, s9  }
0xb: {  	s13 =	ssub.s32 s5, s29;
	s14 =	sadd.s32 s14, s9;
	s11 =	sadd.s32 s28, s4  }
0xc: {  	s4 =	sadd.s32 s30, s1;
	s31 =	sadd.s32 s15, s10;
	s14 =	sshrl.u32 s14, $0x3  }
0xd: {  	s10 =	smax.u32 s13, $0x1;
	s13 =	simm.s32 $0x2800;
	s15 =	simm.s32 $0x1  }
0xe: {  	s5 =	sadd.s32 $0x6400, s4;
	s6 =	sadd.s32 $0xC800, s4;
	s7 =	sadd.s32 $0x12C00, s4  }
0xf: {  	s8 =	sadd.s32 $0x19000, s4;
	s9 =	sadd.s32 $0x1A00, s11;
	s11 =	sadd.s32 $0x531C00, s31  }
0x10: {  	v0 =	vimm.f32 $0.0e+00;
	s12 =	sadd.s32 s14, s12;
	s14 =	simm.s32 $0x2;
	s18 =	sshrl.u32 @!p0 s4, $0x3  }
.LBB2_1:
0x11: {  	s20 =	simm.s32 $0x0;
	s21 =	simm.s32 $0x200  }
.LBB2_2:
0x12: {  	p1 =	sne.s32 s21, $0x18E00;
	[tilespmem:s20+$0x28F0] =	vst v0  }
0x13: {  	[tilespmem:s20+$0x2880] =	vst v0  }
0x14: {  	[tilespmem:s20+$0x2890] =	vst v0  }
.Ltmp0:
0x15: {  	[tilespmem:s20+$0x28A0] =	vst v0;
	(pc) =	sbr.rel @p1 .LBB2_2-.Ltmp0, $4  }
0x16: {  	[tilespmem:s20+$0x28B0] =	vst v0  }
0x17: {  	[tilespmem:s20+$0x28C0] =	vst v0  }
0x18: {  	[tilespmem:s20+$0x28D0] =	vst v0  }
0x19: {  	[tilespmem:s20+$0x28E0] =	vst v0;
	s20 =	sshra.s32 s21, $0x2;
	s21 =	sadd.s32 $0x200, s21  }
0x1a: {  	[tilespmem:s20+$0x28F0] =	vst v0  }
0x1b: {  	[tilespmem:s20+$0x2880] =	vst v0  }
0x1c: {  	[tilespmem:s20+$0x2890] =	vst v0  }
0x1d: {  	[tilespmem:s20+$0x28A0] =	vst v0  }
0x1e: {  	[tilespmem:s20+$0x28B0] =	vst v0  }
0x1f: {  	[tilespmem:s20+$0x28C0] =	vst v0  }
0x20: {  	[tilespmem:s20+$0x28D0] =	vst v0  }
0x21: {  	[tilespmem:s20+$0x28E0] =	vst v0;
	s20 =	simm.s32 @!p0 $0x2880;
	s21 =	simm.s32 @!p0 $0x2  }
0x22: {  	[spmem:s4] =	stream.linear.scatter @!p0 [tilespmem:s20], [sflag:$0x2], $0x6400, $0x38;
	[tilespmem:$0x1C500] =	vst v63  }
0x23: {  	_ =	swait.ge @!p0 [sflag:s21], $0x6400  }
0x24: {  	[sflag:s21] =	ssyncset.done @!p0 $0x0  }
0x25: {  	[sflag:s21] =	ssyncadd.s32 @!p0 $0xFFFF9C00  }
0x26: {  	[spmem:s5] =	stream.linear.scatter @!p0 [tilespmem:s20], [sflag:$0x2], $0x6400, $0x38;
	[tilespmem:$0x1C500] =	vst v63  }
0x27: {  	_ =	swait.ge @!p0 [sflag:s21], $0x6400  }
0x28: {  	[sflag:s21] =	ssyncset.done @!p0 $0x0  }
0x29: {  	[sflag:s21] =	ssyncadd.s32 @!p0 $0xFFFF9C00  }
0x2a: {  	[spmem:s6] =	stream.linear.scatter @!p0 [tilespmem:s20], [sflag:$0x2], $0x6400, $0x38;
	[tilespmem:$0x1C500] =	vst v63  }
0x2b: {  	_ =	swait.ge @!p0 [sflag:s21], $0x6400  }
0x2c: {  	[sflag:s21] =	ssyncset.done @!p0 $0x0  }
0x2d: {  	[sflag:s21] =	ssyncadd.s32 @!p0 $0xFFFF9C00  }
0x2e: {  	[spmem:s7] =	stream.linear.scatter @!p0 [tilespmem:s20], [sflag:$0x2], $0x6400, $0x38;
	[tilespmem:$0x1C500] =	vst v63  }
0x2f: {  	_ =	swait.ge @!p0 [sflag:s21], $0x6400  }
0x30: {  	[sflag:s21] =	ssyncset.done @!p0 $0x0  }
0x31: {  	[sflag:s21] =	ssyncadd.s32 @!p0 $0xFFFF9C00  }
0x32: {  	[spmem:s8] =	stream.linear.scatter @!p0 [tilespmem:s20], [sflag:$0x2], $0x6400, $0x38;
	[tilespmem:$0x1C500] =	vst v63  }
0x33: {  	_ =	swait.ge @!p0 [sflag:s21], $0x6400  }
0x34: {  	[sflag:s21] =	ssyncset.done @!p0 $0x0  }
0x35: {  	[sflag:s21] =	ssyncadd.s32 @!p0 $0xFFFF9C00  }
0x36: {  	s31 =	sadd.s32 $0x0, s12;
	[bflag:$0x0] =	sbarrier.arrive $0xFFFF  }
0x37: {  	[tilespmem:s13], [sflag:$0x2] =	stream.linear.gather [hbm4b:s31+s3], $0x50, $0x38;
	[tilespmem:$0x1C500] =	vst v63  }
0x38: {  	_ =	swait.ge [sflag:s14], $0x50  }
0x39: {  	[sflag:s14] =	ssyncset.done $0x0  }
0x3a: {  	[sflag:s14] =	ssyncadd.s32 $0xFFFFFFB0  }
0x3b: {  	[tilespmem:s3], [sflag:$0x1] =	stream.linear.gather [hbm4b:s11+s3], $0x2800, $0x38;
	[tilespmem:$0x1C500] =	vst v63  }
0x3c: {  	_ =	swait.ge [sflag:s15], $0x2800  }
0x3d: {  	[sflag:s15] =	ssyncset.done $0x0  }
0x3e: {  	[sflag:s15] =	ssyncadd.s32 $0xFFFFD800  }
0x3f: {  	[spmem:s1] =	stream.indirect.scatter.add.f32 [tilespmem:s3], [sflag:$0x2], $0x80, s13, s16, $0xb8;
	[tilespmem:$0x1C500] =	vst v63  }
0x40: {  	s22 =	simm.s32 $0x14;
	_ =	swait.ge [sflag:s14], $0x2800  }
0x41: {  	s20 =	sadd.s32 $0x500, s11;
	s21 =	simm.s32 $0xA;
	[sflag:s14] =	ssyncset.done $0x0  }
.LBB2_4:
0x42: {  	s23 =	sadd.s32 s21, s12  }
0x43: {  	[sflag:s14] =	ssyncadd.s32 $0xFFFFD800;
	s21 =	smov.u32 s22;
	s24 =	sadd.s32 $0xA, s22  }
0x44: {  	[tilespmem:s13], [sflag:$0x2] =	stream.linear.gather [hbm4b:s23+s3], $0x50, $0x38;
	[tilespmem:$0x1C500] =	vst v63  }
0x45: {  	p1 =	sne.s32 s22, $0x4D8;
	_ =	swait.ge [sflag:s14], $0x50  }
0x46: {  	[sflag:s14] =	ssyncset.done $0x0  }
0x47: {  	[sflag:s14] =	ssyncadd.s32 $0xFFFFFFB0  }
0x48: {  	[tilespmem:s3], [sflag:$0x1] =	stream.linear.gather [hbm4b:s20+s3], $0x2800, $0x38;
	[tilespmem:$0x1C500] =	vst v63  }
0x49: {  	_ =	swait.ge [sflag:s15], $0x2800  }
.Ltmp1:
0x4a: {  	[sflag:s15] =	ssyncset.done $0x0;
	(pc) =	sbr.rel @p1 .LBB2_4-.Ltmp1, $4  }
0x4b: {  	[sflag:s15] =	ssyncadd.s32 $0xFFFFD800  }
0x4c: {  	[spmem:s1] =	stream.indirect.scatter.add.f32 [tilespmem:s3], [sflag:$0x2], $0x80, s13, s16, $0xb8;
	[tilespmem:$0x1C500] =	vst v63  }
0x4d: {  	_ =	swait.ge [sflag:s14], $0x2800  }
0x4e: {  	s22 =	smov.u32 s24;
	s20 =	sadd.s32 $0x500, s20;
	[sflag:s14] =	ssyncset.done $0x0  }
0x4f: {  	s21 =	sadd.s32 s21, s12;
	[sflag:s14] =	ssyncadd.s32 $0xFFFFD800  }
0x50: {  	[tilespmem:s13], [sflag:$0x2] =	stream.linear.gather [hbm4b:s21+s3], $0x50, $0x38;
	[tilespmem:$0x1C500] =	vst v63  }
0x51: {  	_ =	swait.ge [sflag:s14], $0x50  }
0x52: {  	[sflag:s14] =	ssyncset.done $0x0  }
0x53: {  	[sflag:s14] =	ssyncadd.s32 $0xFFFFFFB0  }
0x54: {  	[tilespmem:s3], [sflag:$0x1] =	stream.linear.gather [hbm4b:s20+s3], $0x2800, $0x38;
	[tilespmem:$0x1C500] =	vst v63  }
0x55: {  	_ =	swait.ge [sflag:s15], $0x2800  }
0x56: {  	[sflag:s15] =	ssyncset.done $0x0  }
0x57: {  	[sflag:s15] =	ssyncadd.s32 $0xFFFFD800  }
0x58: {  	[spmem:s1] =	stream.indirect.scatter.add.f32 [tilespmem:s3], [sflag:$0x2], $0x80, s13, s16, $0xb8;
	[tilespmem:$0x1C500] =	vst v63  }
0x59: {  	_ =	swait.ge [sflag:s14], $0x2800  }
0x5a: {  	s19 =	sadd.s32 $0x1, s19;
	[sflag:s14] =	ssyncset.done $0x0  }
0x5b: {  	p1 =	sne.s32 s19, s10;
	[sflag:s14] =	ssyncadd.s32 $0xFFFFD800  }
.Ltmp2:
0x5c: {  	s20 =	simm.s32 @!p0 $0x2;
	[bflag:$0x0] =	sbarrier.arrive $0xFFFF;
	(pc) =	sbr.rel @p1 .LBB2_1-.Ltmp2, $4  }
0x5d: {  	[hbm:s9], [sflag:s17] =	dma.local @!p0 [spmem:s18], $0x3E80  }
0x5e: {  	_ =	swait.ge @!p0 [sflag:s20], $0x3E80  }
0x5f: {  	[sflag:s20] =	ssyncset.done @!p0 $0x0  }
0x60: {  	[sflag:s20] =	ssyncadd.s32 @!p0 $0xFFFFC180  }
0x61: {  	_ =	sfence.sel $0x180000  }
0x62: {  	[bflag:$0x0] =	sbarrier.arrive $0xFFFF  }
0x63: {  	p0 =	sne.s32 s2, $0x0;
	_ =	strace $0x9000004A  }
0x64: {  	s0 =	sadd.s32 @!p0 $0x100000, s0;
	[bflag:$0x2] =	sbarrier.arrive $0xFFFF  }
0x65: {  	[sflag:s0] =	ssyncadd.tile.s32 @!p0 $0x1;
	_ =	shalt  }
.Lfunc_end2:
_tile_overlayer_lowered:
.L_overlay_start_2:
0x66: {  	(tag) =	ssettag $0x2  }
0x67: {  	s0 =	rddreg [dreg:$0x0];
	s2 =	stileid.u32  }
0x68: {  	s1 =	rddreg [dreg:$0x1];
	p0 =	sne.s32 s2, $0x0  }
0x69: {  	s3 =	rddreg [dreg:$0x2];
	[bflag:$0x3] =	sbarrier.arrive $0xFFFF;
	s2 =	simm.s32 @!p0 $0x1C02  }
0x6a: {  	[timem:s3], [sflag:s2] =	dma.local @!p0 [hbm:s0], s1  }
0x6b: {  	s0 =	simm.s32 @!p0 $0x2  }
0x6c: {  	_ =	swait.ge @!p0 [sflag:s0], s1  }
0x6d: {  	s1 =	ssub.s32 @!p0 $0x0, s1;
	[sflag:s0] =	ssyncset.done @!p0 $0x0  }
0x6e: {  	[sflag:s0] =	ssyncadd.s32 @!p0 s1  }
0x6f: {  	[bflag:$0x3] =	sbarrier.arrive $0xFFFF  }
0x70: {  	_ =	shalt  }

</sc_bundles>
